<compile_context>
chip_gen: v7x
topology: tpu7x:2x2x1
jax: 0.10.2.dev20260603
libtpu: 0.0.44.dev20260713+nightly
codegen_flags: <defaults>
</compile_context>

<pallas_src>
import functools

import jax
import jax.numpy as jnp
from jax import lax
from jax.experimental import pallas as pl
from jax.experimental.pallas import tpu as pltpu
from jax.experimental.pallas import tpu_sc as plsc

N = 10000
D = 128
DO = 40
DOP = 128
E = 320000
EPS = 1e-5

NC = 2
NS = 16
NP = 10240
CH = 64
NCHUNK = 5120
EP = NCHUNK * CH
CPW = NCHUNK // (NC * NS)
RPT = NP // NS

BM = 256


def _sc_mesh():
    return plsc.VectorSubcoreMesh(core_axis_name="c", subcore_axis_name="s",
                                  num_cores=NC, num_subcores=NS)


@functools.cache
def _deg_kernel():
    @functools.partial(
        pl.kernel,
        out_type=jax.ShapeDtypeStruct((NC, NP, D), jnp.float32),
        mesh=_sc_mesh(),
        scratch_types=[
            pltpu.VMEM((CPW, CH), jnp.int32),
            pltpu.VMEM((CH, D), jnp.float32),
            pltpu.VMEM_SHARED((NP, D), jnp.float32),
            pltpu.SemaphoreType.DMA,
        ],
    )
    def _deg(dst_hbm, ones_hbm, zeros_hbm, out_hbm, dstv, onesv, degsp, dsem):
        c = lax.axis_index("c")
        s = lax.axis_index("s")
        pltpu.sync_copy(ones_hbm, onesv)
        pltpu.sync_copy(zeros_hbm.at[pl.ds(s * RPT, RPT)],
                        degsp.at[pl.ds(s * RPT, RPT)])
        plsc.subcore_barrier()
        base = (c * NS + s) * CPW
        pltpu.sync_copy(dst_hbm.at[pl.ds(base, CPW)], dstv)

        @pl.loop(0, CPW)
        def _(j):
            pltpu.async_copy(onesv, degsp.at[dstv.at[j]], dsem, add=True)

        @pl.loop(0, CPW)
        def _(j):
            pltpu.make_async_copy(onesv, degsp.at[dstv.at[j]], dsem).wait()

        plsc.subcore_barrier()
        pltpu.sync_copy(degsp.at[pl.ds(s * RPT, RPT)],
                        out_hbm.at[c, pl.ds(s * RPT, RPT)])

    return _deg


SPLIT0 = 256
SPLIT1 = 2 * CPW - SPLIT0
CPWMAX = max(SPLIT0, SPLIT1)
NCH_PAD = NCHUNK + 256


@functools.cache
def _make_scatter(dc):
    @functools.partial(
        pl.kernel,
        out_type=jax.ShapeDtypeStruct((NC, NP, dc), jnp.float32),
        mesh=_sc_mesh(),
        scratch_types=[
            pltpu.VMEM((CPWMAX, CH), jnp.int32),
            pltpu.VMEM((CPWMAX, CH), jnp.int32),
            pltpu.VMEM((2, CH, dc), jnp.float32),
            pltpu.SemaphoreType.DMA((2,)),
            pltpu.VMEM_SHARED((NP, dc), jnp.float32),
        ],
        compiler_params=pltpu.CompilerParams(use_tc_tiling_on_sc=False),
    )
    def _scatter(src_hbm, dst_hbm, z_hbm, zeros_hbm, out_hbm,
                 srcv, dstv, rows, gsems, acc):
        c = lax.axis_index("c")
        s = lax.axis_index("s")
        cpw = jnp.where(c == 0, SPLIT0, SPLIT1)
        base = jnp.where(c == 0, s * SPLIT0, NS * SPLIT0 + s * SPLIT1)
        pltpu.sync_copy(src_hbm.at[pl.ds(base, CPWMAX)], srcv)
        pltpu.sync_copy(dst_hbm.at[pl.ds(base, CPWMAX)], dstv)
        pltpu.sync_copy(zeros_hbm.at[pl.ds(s * RPT, RPT)],
                        acc.at[pl.ds(s * RPT, RPT)])
        plsc.subcore_barrier()

        def _gather(g, b):
            pltpu.async_copy(z_hbm.at[srcv.at[g]], rows.at[b], gsems.at[b])

        def _gwait(g, b):
            pltpu.make_async_copy(z_hbm.at[srcv.at[g]], rows.at[b],
                                  gsems.at[b]).wait()

        @pl.loop(0, CPWMAX + 1)
        def _(g):
            @pl.when(g < cpw)
            def _():
                _gather(g, lax.rem(g, 2))

            @pl.when((g > 0) & (g <= cpw))
            def _():
                b = lax.rem(g + 1, 2)
                _gwait(g - 1, b)
                pltpu.sync_copy(rows.at[b], acc.at[dstv.at[g - 1]], add=True)

        plsc.subcore_barrier()
        pltpu.sync_copy(acc.at[pl.ds(s * RPT, RPT)],
                        out_hbm.at[c, pl.ds(s * RPT, RPT)])

    return _scatter


def _tc_first(x_ref, w_ref, degp_ref, z_ref, dinv_ref):
    dp = degp_ref[0] + degp_ref[1]
    deg = dp[:, 0:1] + 1.0
    dinv = lax.rsqrt(jnp.maximum(deg, 1.0))
    dinvb = jnp.broadcast_to(dinv, (BM, D))
    xw = jnp.dot(x_ref[...], w_ref[...], preferred_element_type=jnp.float32)
    z_ref[...] = dinvb * xw
    dinv_ref[...] = dinvb


def _tc_mid(a_ref, z_ref, dinv_ref, b_ref, g_ref, be_ref, w_ref, zo_ref, dc):
    dinvb = dinv_ref[...]
    u = dinvb * (a_ref[0] + a_ref[1] + z_ref[...]) + b_ref[...]
    u = u * (g_ref[...] / jnp.sqrt(1.0 + EPS)) + be_ref[...]
    u = jnp.maximum(u, 0.0)
    zw = jnp.dot(u, w_ref[...], preferred_element_type=jnp.float32)
    zo_ref[...] = dinvb[:, :dc] * zw


def _tc_last(a_ref, z_ref, dinv_ref, b_ref, o_ref):
    logits = dinv_ref[...] * (a_ref[0] + a_ref[1] + z_ref[...]) + b_ref[...]
    col = lax.broadcasted_iota(jnp.int32, (BM, DOP), 1)
    valid = col < DO
    masked = jnp.where(valid, logits, -1e30)
    m = jnp.max(masked, axis=1, keepdims=True)
    sh = logits - m
    ex = jnp.where(valid, jnp.exp(sh), 0.0)
    lse = jnp.log(jnp.sum(ex, axis=1, keepdims=True))
    o_ref[...] = sh - lse


def _row_spec(dc):
    return pl.BlockSpec((BM, dc), lambda i: (i, 0))


def _full_spec(shape):
    return pl.BlockSpec(shape, lambda i: tuple(0 for _ in shape))


def _pair_spec(dc):
    return pl.BlockSpec((2, BM, dc), lambda i: (0, i, 0))


_GRID = (NP // BM,)


def kernel(x, adj_t, W1, b1, W2, b2, W3, b3, g1, be1, g2, be2):
    f32 = jnp.float32
    src = jnp.concatenate(
        [adj_t[0],
         jnp.zeros((NCH_PAD * CH - E,), jnp.int32)]).reshape(NCH_PAD, CH)
    dst = jnp.concatenate(
        [adj_t[1], jnp.full((EP - E,), N, jnp.int32),
         jnp.zeros(((NCH_PAD - NCHUNK) * CH,), jnp.int32)]).reshape(NCH_PAD,
                                                                    CH)
    x_p = jnp.zeros((NP, D), f32).at[:N].set(x)
    w3p = jnp.zeros((D, DOP), f32).at[:, :DO].set(W3)
    b3p = jnp.zeros((DOP,), f32).at[:DO].set(b3)
    ones_src = jnp.ones((CH, D), f32)
    zeros128 = jnp.zeros((NP, D), f32)
    zeros64 = jnp.zeros((NP, DOP), f32)

    scatter128 = _make_scatter(D)
    degp = _deg_kernel()(dst, ones_src, zeros128)

    z1, dinvb = pl.pallas_call(
        _tc_first,
        grid=_GRID,
        in_specs=[_row_spec(D), _full_spec((D, D)), _pair_spec(D)],
        out_specs=[_row_spec(D), _row_spec(D)],
        out_shape=[jax.ShapeDtypeStruct((NP, D), f32),
                   jax.ShapeDtypeStruct((NP, D), f32)],
    )(x_p, W1, degp)

    a1 = scatter128(src, dst, z1, zeros128)

    z2 = pl.pallas_call(
        functools.partial(_tc_mid, dc=D),
        grid=_GRID,
        in_specs=[_pair_spec(D), _row_spec(D), _row_spec(D),
                  _full_spec((D,)), _full_spec((D,)), _full_spec((D,)),
                  _full_spec((D, D))],
        out_specs=_row_spec(D),
        out_shape=jax.ShapeDtypeStruct((NP, D), f32),
    )(a1, z1, dinvb, b1, g1, be1, W2)

    a2 = scatter128(src, dst, z2, zeros128)

    z3 = pl.pallas_call(
        functools.partial(_tc_mid, dc=DOP),
        grid=_GRID,
        in_specs=[_pair_spec(D), _row_spec(D), _row_spec(D),
                  _full_spec((D,)), _full_spec((D,)), _full_spec((D,)),
                  _full_spec((D, DOP))],
        out_specs=_row_spec(DOP),
        out_shape=jax.ShapeDtypeStruct((NP, DOP), f32),
    )(a2, z2, dinvb, b2, g2, be2, w3p)

    a3 = scatter128(src, dst, z3, zeros64)

    out = pl.pallas_call(
        _tc_last,
        grid=_GRID,
        in_specs=[_pair_spec(DOP), _row_spec(DOP), _row_spec(DOP),
                  _full_spec((DOP,))],
        out_specs=_row_spec(DOP),
        out_shape=jax.ShapeDtypeStruct((NP, DOP), f32),
    )(a3, z3, dinvb, b3p)

    return out[:N, :DO]

# --- scband reference (transcript-rebuilt; emitter-appended) ---
"""Pipeline reference for scband-gcn-45294725103707 (READ-ONLY COPY).

The authoritative reference and input builder live on the scoring server;
editing this copy changes nothing except your own understanding.
"""

import jax, jax.numpy as jnp
import numpy as np

N = 10000
E = 320000
D_IN = 128
D_HID = 128
D_OUT = 40
EPS = 1e-5


def setup_inputs(seed: int = 0) -> dict:
    key = jax.random.key(seed)
    ks = jax.random.split(key, 12)
    x = jax.random.normal(ks[0], (N, D_IN), dtype=jnp.float32)
    edge_index = jax.random.randint(ks[1], (2, E), 0, N, dtype=jnp.int32)
    W1 = jax.random.normal(ks[2], (D_IN, D_HID), dtype=jnp.float32) / np.sqrt(D_IN)
    b1 = jnp.zeros((D_HID,), dtype=jnp.float32)
    W2 = jax.random.normal(ks[3], (D_HID, D_HID), dtype=jnp.float32) / np.sqrt(D_HID)
    b2 = jnp.zeros((D_HID,), dtype=jnp.float32)
    W3 = jax.random.normal(ks[4], (D_HID, D_OUT), dtype=jnp.float32) / np.sqrt(D_HID)
    b3 = jnp.zeros((D_OUT,), dtype=jnp.float32)
    g1 = jnp.ones((D_HID,), dtype=jnp.float32)
    be1 = jnp.zeros((D_HID,), dtype=jnp.float32)
    g2 = jnp.ones((D_HID,), dtype=jnp.float32)
    be2 = jnp.zeros((D_HID,), dtype=jnp.float32)
    return {"x": x, "adj_t": edge_index, "W1": W1, "b1": b1, "W2": W2, "b2": b2,
            "W3": W3, "b3": b3, "g1": g1, "be1": be1, "g2": g2, "be2": be2}


def _gcn_conv(x, src, dst, W, b):
    # GCNConv: x' = D^{-1/2} (A + I) D^{-1/2} X W + b  (self-loops already in src/dst)
    xw = x @ W
    deg = jnp.zeros((N,), dtype=x.dtype).at[dst].add(1.0)
    dinv = jax.lax.rsqrt(jnp.maximum(deg, 1.0))
    norm = dinv[src] * dinv[dst]
    msg = xw[src] * norm[:, None]
    out = jnp.zeros((N, W.shape[1]), dtype=x.dtype).at[dst].add(msg)
    return out + b


def _batch_norm_eval(x, gamma, beta):
    # BatchNorm1d in eval mode with running_mean=0, running_var=1
    return x * (gamma / jnp.sqrt(1.0 + EPS)) + beta


def reference(x, adj_t, W1, b1, W2, b2, W3, b3, g1, be1, g2, be2):
    loop = jnp.arange(N, dtype=adj_t.dtype)
    src = jnp.concatenate([adj_t[0], loop])
    dst = jnp.concatenate([adj_t[1], loop])
    h = _gcn_conv(x, src, dst, W1, b1)
    h = _batch_norm_eval(h, g1, be1)
    h = jax.nn.relu(h)
    # dropout is identity in eval mode
    h = _gcn_conv(h, src, dst, W2, b2)
    h = _batch_norm_eval(h, g2, be2)
    h = jax.nn.relu(h)
    out = _gcn_conv(h, src, dst, W3, b3)
    return jax.nn.log_softmax(out, axis=-1)

if __name__ == "__main__":
    import jax
    _d = setup_inputs()
    print(jax.jit(kernel)(*tuple(_d.values())))

</pallas_src>

<mosaic_0001>
#map = affine_map<(d0, d1) -> (0, 0)>
#map1 = affine_map<(d0, d1) -> (0, 0, 0)>
module attributes {stable_mosaic.version = 14 : i64} {
  func.func @_scatter(%arg0: i32, %arg1: i32, %arg2: memref<5376x64xi32, #tpu.memory_space<hbm>>, %arg3: memref<5376x64xi32, #tpu.memory_space<hbm>>, %arg4: memref<10240x128xf32, #tpu.memory_space<hbm>>, %arg5: memref<10240x128xf32, #tpu.memory_space<hbm>>, %arg6: memref<2x10240x128xf32, #tpu.memory_space<hbm>>, %arg7: memref<256x64xi32, #tpu.memory_space<vmem>>, %arg8: memref<256x64xi32, #tpu.memory_space<vmem>>, %arg9: memref<2x64x128xf32, #tpu.memory_space<vmem>>, %arg10: memref<2x!tpu.dma_semaphore, #tpu.memory_space<semaphore_mem>>, %arg11: memref<10240x128xf32, #tpu.memory_space<vmem_shared>>) attributes {dimension_semantics = [#tpu.dimension_semantics<core_parallel>, #tpu.dimension_semantics<subcore_parallel>], iteration_bounds = array<i64: 2, 16>, scalar_prefetch = 0 : i64, scratch_operands = 5 : i64, tpu.core_type = #tpu.core_type<sc_vector_subcore>, window_params = [{transform_indices = #map}, {transform_indices = #map}, {transform_indices = #map}, {transform_indices = #map}, {transform_indices = #map1}]} {
    %eq3A = arith.constant 0 : i32
    %eq3A_0 = arith.cmpi eq, %arg0, %eq3A : i32
    %jit3A = arith.constant 256 : i32
    %jit3A_1 = arith.constant 64 : i32
    %select_n3A = arith.select %eq3A_0, %jit3A, %jit3A_1 : i32
    %eq3A_2 = arith.constant 0 : i32
    %eq3A_3 = arith.cmpi eq, %arg0, %eq3A_2 : i32
    %mul3A = arith.constant 256 : i32
    %mul3A_4 = arith.muli %arg1, %mul3A : i32
    %mul3A_5 = arith.constant 64 : i32
    %mul3A_6 = arith.muli %arg1, %mul3A_5 : i32
    %add3A = arith.constant 4096 : i32
    %add3A_7 = arith.addi %add3A, %mul3A_6 : i32
    %select_n3A_8 = arith.select %eq3A_3, %mul3A_4, %add3A_7 : i32
    "tpu.region"() ({
      %run_scoped3A = tpu.sem_alloc : memref<!tpu.dma_semaphore, #tpu.memory_space<semaphore_mem>>
      %dma_start3A = arith.constant 0 : i32
      %dma_start3A_22 = tpu.memref_slice %arg2[%select_n3A_8, %dma_start3A] : memref<5376x64xi32, #tpu.memory_space<hbm>> -> memref<256x64xi32, #tpu.memory_space<hbm>>
      %dma_start3A_23 = arith.constant 0 : i32
      %dma_start3A_24 = tpu.memref_slice %arg2[%select_n3A_8, %dma_start3A_23] : memref<5376x64xi32, #tpu.memory_space<hbm>> -> memref<256x64xi32, #tpu.memory_space<hbm>>
      tpu.enqueue_dma source(%dma_start3A_24 : memref<256x64xi32, #tpu.memory_space<hbm>>) target(%arg7 : memref<256x64xi32, #tpu.memory_space<vmem>>) target_semaphore(%run_scoped3A : memref<!tpu.dma_semaphore, #tpu.memory_space<semaphore_mem>>)
      %dma_wait3A = arith.constant 0 : i32
      %dma_wait3A_25 = tpu.memref_slice %arg2[%select_n3A_8, %dma_wait3A] : memref<5376x64xi32, #tpu.memory_space<hbm>> -> memref<256x64xi32, #tpu.memory_space<hbm>>
      %dma_wait3A_26 = arith.constant 0 : i32
      %dma_wait3A_27 = tpu.memref_slice %arg2[%select_n3A_8, %dma_wait3A_26] : memref<5376x64xi32, #tpu.memory_space<hbm>> -> memref<256x64xi32, #tpu.memory_space<hbm>>
      tpu.wait_dma2 semaphore(%run_scoped3A : memref<!tpu.dma_semaphore, #tpu.memory_space<semaphore_mem>>) src(%dma_wait3A_27 : memref<256x64xi32, #tpu.memory_space<hbm>>) dst(%arg7 : memref<256x64xi32, #tpu.memory_space<vmem>>)
      tpu.yield
    }) : () -> ()
    "tpu.region"() ({
      %run_scoped3A = tpu.sem_alloc : memref<!tpu.dma_semaphore, #tpu.memory_space<semaphore_mem>>
      %dma_start3A = arith.constant 0 : i32
      %dma_start3A_22 = tpu.memref_slice %arg3[%select_n3A_8, %dma_start3A] : memref<5376x64xi32, #tpu.memory_space<hbm>> -> memref<256x64xi32, #tpu.memory_space<hbm>>
      %dma_start3A_23 = arith.constant 0 : i32
      %dma_start3A_24 = tpu.memref_slice %arg3[%select_n3A_8, %dma_start3A_23] : memref<5376x64xi32, #tpu.memory_space<hbm>> -> memref<256x64xi32, #tpu.memory_space<hbm>>
      tpu.enqueue_dma source(%dma_start3A_24 : memref<256x64xi32, #tpu.memory_space<hbm>>) target(%arg8 : memref<256x64xi32, #tpu.memory_space<vmem>>) target_semaphore(%run_scoped3A : memref<!tpu.dma_semaphore, #tpu.memory_space<semaphore_mem>>)
      %dma_wait3A = arith.constant 0 : i32
      %dma_wait3A_25 = tpu.memref_slice %arg3[%select_n3A_8, %dma_wait3A] : memref<5376x64xi32, #tpu.memory_space<hbm>> -> memref<256x64xi32, #tpu.memory_space<hbm>>
      %dma_wait3A_26 = arith.constant 0 : i32
      %dma_wait3A_27 = tpu.memref_slice %arg3[%select_n3A_8, %dma_wait3A_26] : memref<5376x64xi32, #tpu.memory_space<hbm>> -> memref<256x64xi32, #tpu.memory_space<hbm>>
      tpu.wait_dma2 semaphore(%run_scoped3A : memref<!tpu.dma_semaphore, #tpu.memory_space<semaphore_mem>>) src(%dma_wait3A_27 : memref<256x64xi32, #tpu.memory_space<hbm>>) dst(%arg8 : memref<256x64xi32, #tpu.memory_space<vmem>>)
      tpu.yield
    }) : () -> ()
    %mul3A_9 = arith.constant 640 : i32
    %mul3A_10 = arith.muli %arg1, %mul3A_9 : i32
    %mul3A_11 = arith.constant 640 : i32
    %mul3A_12 = arith.muli %arg1, %mul3A_11 : i32
    "tpu.region"() ({
      %run_scoped3A = tpu.sem_alloc : memref<!tpu.dma_semaphore, #tpu.memory_space<semaphore_mem>>
      %dma_start3A = arith.constant 0 : i32
      %dma_start3A_22 = tpu.memref_slice %arg11[%mul3A_12, %dma_start3A] : memref<10240x128xf32, #tpu.memory_space<vmem_shared>> -> memref<640x128xf32, #tpu.memory_space<vmem_shared>>
      %dma_start3A_23 = arith.constant 0 : i32
      %dma_start3A_24 = tpu.memref_slice %arg5[%mul3A_10, %dma_start3A_23] : memref<10240x128xf32, #tpu.memory_space<hbm>> -> memref<640x128xf32, #tpu.memory_space<hbm>>
      tpu.enqueue_dma source(%dma_start3A_24 : memref<640x128xf32, #tpu.memory_space<hbm>>) target(%dma_start3A_22 : memref<640x128xf32, #tpu.memory_space<vmem_shared>>) target_semaphore(%run_scoped3A : memref<!tpu.dma_semaphore, #tpu.memory_space<semaphore_mem>>)
      %dma_wait3A = arith.constant 0 : i32
      %dma_wait3A_25 = tpu.memref_slice %arg11[%mul3A_12, %dma_wait3A] : memref<10240x128xf32, #tpu.memory_space<vmem_shared>> -> memref<640x128xf32, #tpu.memory_space<vmem_shared>>
      %dma_wait3A_26 = arith.constant 0 : i32
      %dma_wait3A_27 = tpu.memref_slice %arg5[%mul3A_10, %dma_wait3A_26] : memref<10240x128xf32, #tpu.memory_space<hbm>> -> memref<640x128xf32, #tpu.memory_space<hbm>>
      tpu.wait_dma2 semaphore(%run_scoped3A : memref<!tpu.dma_semaphore, #tpu.memory_space<semaphore_mem>>) src(%dma_wait3A_27 : memref<640x128xf32, #tpu.memory_space<hbm>>) dst(%dma_wait3A_25 : memref<640x128xf32, #tpu.memory_space<vmem_shared>>)
      tpu.yield
    }) : () -> ()
    %barrier3A = arith.constant 0 : index
    tpu.barrier barrier_id(%barrier3A)
    %scan3A = arith.constant 0 : i32
    %scan3A_13 = arith.constant 257 : i32
    %scan3A_14 = arith.addi %scan3A, %scan3A_13 : i32
    %scan3A_15 = arith.constant 1 : i32
    scf.for %scan3A_22 = %scan3A to %scan3A_14 step %scan3A_15  : i32 {
      %mul3A_23 = arith.constant 1 : i32
      %mul3A_24 = arith.muli %scan3A_22, %mul3A_23 : i32
      %add3A_25 = arith.constant 0 : i32
      %add3A_26 = arith.addi %add3A_25, %mul3A_24 : i32
      %lt3A = arith.cmpi slt, %add3A_26, %select_n3A : i32
      %convert_element_type3A = arith.extui %lt3A : i1 to i32
      %cond3A = arith.constant 0 : i32
      %cond3A_27 = arith.cmpi ne, %convert_element_type3A, %cond3A : i32
      scf.if %cond3A_27 {
        %rem3A = arith.constant 2 : i32
        %rem3A_32 = arith.remsi %add3A_26, %rem3A : i32
        %dma_start3A = arith.constant 0 : i32
        %dma_start3A_33 = arith.constant 0 : i32
        %dma_start3A_34 = tpu.memref_slice %arg9[%rem3A_32, %dma_start3A, %dma_start3A_33] : memref<2x64x128xf32, #tpu.memory_space<vmem>> -> memref<1x64x128xf32, #tpu.memory_space<vmem>>
        %dma_start3A_35 = tpu.memref_squeeze %dma_start3A_34 : memref<1x64x128xf32, #tpu.memory_space<vmem>> -> memref<64x128xf32, #tpu.memory_space<vmem>>
        %dma_start3A_36 = arith.constant 0 : i32
        %dma_start3A_37 = tpu.memref_slice %arg7[%add3A_26, %dma_start3A_36] : memref<256x64xi32, #tpu.memory_space<vmem>> -> memref<1x64xi32, #tpu.memory_space<vmem>>
        %dma_start3A_38 = tpu.memref_squeeze %dma_start3A_37 : memref<1x64xi32, #tpu.memory_space<vmem>> -> memref<64xi32, #tpu.memory_space<vmem>>
        %dma_start3A_39 = arith.constant 0 : i32
        %dma_start3A_40 = arith.constant 0 : i32
        %dma_start3A_41 = tpu.memref_slice %arg4[%dma_start3A_39, %dma_start3A_40] : memref<10240x128xf32, #tpu.memory_space<hbm>> -> memref<10240x128xf32, #tpu.memory_space<hbm>>
        %dma_start3A_42 = tpu.memref_slice %arg10[%rem3A_32] : memref<2x!tpu.dma_semaphore, #tpu.memory_space<semaphore_mem>> -> memref<1x!tpu.dma_semaphore, #tpu.memory_space<semaphore_mem>>
        %dma_start3A_43 = tpu.memref_squeeze %dma_start3A_42 : memref<1x!tpu.dma_semaphore, #tpu.memory_space<semaphore_mem>> -> memref<!tpu.dma_semaphore, #tpu.memory_space<semaphore_mem>>
        tpu.enqueue_indirect_dma source(%dma_start3A_41 : memref<10240x128xf32, #tpu.memory_space<hbm>>) target(%dma_start3A_35 : memref<64x128xf32, #tpu.memory_space<vmem>>) offsets(%dma_start3A_38 : memref<64xi32, #tpu.memory_space<vmem>>) semaphore(%dma_start3A_43 : memref<!tpu.dma_semaphore, #tpu.memory_space<semaphore_mem>>)
      } else {
      }
      %gt3A = arith.constant 0 : i32
      %gt3A_28 = arith.cmpi sgt, %add3A_26, %gt3A : i32
      %le3A = arith.cmpi sle, %add3A_26, %select_n3A : i32
      %and3A = arith.andi %gt3A_28, %le3A : i1
      %convert_element_type3A_29 = arith.extui %and3A : i1 to i32
      %cond3A_30 = arith.constant 0 : i32
      %cond3A_31 = arith.cmpi ne, %convert_element_type3A_29, %cond3A_30 : i32
      scf.if %cond3A_31 {
        %add3A_32 = arith.constant 1 : i32
        %add3A_33 = arith.addi %add3A_26, %add3A_32 : i32
        %rem3A = arith.constant 2 : i32
        %rem3A_34 = arith.remsi %add3A_33, %rem3A : i32
        %sub3A = arith.constant 1 : i32
        %sub3A_35 = arith.subi %add3A_26, %sub3A : i32
        %dma_wait3A = arith.constant 0 : i32
        %dma_wait3A_36 = arith.constant 0 : i32
        %dma_wait3A_37 = tpu.memref_slice %arg9[%rem3A_34, %dma_wait3A, %dma_wait3A_36] : memref<2x64x128xf32, #tpu.memory_space<vmem>> -> memref<1x64x128xf32, #tpu.memory_space<vmem>>
        %dma_wait3A_38 = tpu.memref_squeeze %dma_wait3A_37 : memref<1x64x128xf32, #tpu.memory_space<vmem>> -> memref<64x128xf32, #tpu.memory_space<vmem>>
        %dma_wait3A_39 = arith.constant 0 : i32
        %dma_wait3A_40 = tpu.memref_slice %arg7[%sub3A_35, %dma_wait3A_39] : memref<256x64xi32, #tpu.memory_space<vmem>> -> memref<1x64xi32, #tpu.memory_space<vmem>>
        %dma_wait3A_41 = tpu.memref_squeeze %dma_wait3A_40 : memref<1x64xi32, #tpu.memory_space<vmem>> -> memref<64xi32, #tpu.memory_space<vmem>>
        %dma_wait3A_42 = arith.constant 0 : i32
        %dma_wait3A_43 = arith.constant 0 : i32
        %dma_wait3A_44 = tpu.memref_slice %arg4[%dma_wait3A_42, %dma_wait3A_43] : memref<10240x128xf32, #tpu.memory_space<hbm>> -> memref<10240x128xf32, #tpu.memory_space<hbm>>
        %dma_wait3A_45 = tpu.memref_slice %arg10[%rem3A_34] : memref<2x!tpu.dma_semaphore, #tpu.memory_space<semaphore_mem>> -> memref<1x!tpu.dma_semaphore, #tpu.memory_space<semaphore_mem>>
        %dma_wait3A_46 = tpu.memref_squeeze %dma_wait3A_45 : memref<1x!tpu.dma_semaphore, #tpu.memory_space<semaphore_mem>> -> memref<!tpu.dma_semaphore, #tpu.memory_space<semaphore_mem>>
        tpu.wait_indirect_dma semaphore(%dma_wait3A_46 : memref<!tpu.dma_semaphore, #tpu.memory_space<semaphore_mem>>) src(%dma_wait3A_44 : memref<10240x128xf32, #tpu.memory_space<hbm>>) dst(%dma_wait3A_38 : memref<64x128xf32, #tpu.memory_space<vmem>>)
        %sub3A_47 = arith.constant 1 : i32
        %sub3A_48 = arith.subi %add3A_26, %sub3A_47 : i32
        "tpu.region"() ({
          %run_scoped3A = tpu.sem_alloc : memref<!tpu.dma_semaphore, #tpu.memory_space<semaphore_mem>>
          %dma_start3A = arith.constant 0 : i32
          %dma_start3A_49 = arith.constant 0 : i32
          %dma_start3A_50 = tpu.memref_slice %arg9[%rem3A_34, %dma_start3A, %dma_start3A_49] : memref<2x64x128xf32, #tpu.memory_space<vmem>> -> memref<1x64x128xf32, #tpu.memory_space<vmem>>
          %dma_start3A_51 = tpu.memref_squeeze %dma_start3A_50 : memref<1x64x128xf32, #tpu.memory_space<vmem>> -> memref<64x128xf32, #tpu.memory_space<vmem>>
          %dma_start3A_52 = arith.constant 0 : i32
          %dma_start3A_53 = tpu.memref_slice %arg8[%sub3A_48, %dma_start3A_52] : memref<256x64xi32, #tpu.memory_space<vmem>> -> memref<1x64xi32, #tpu.memory_space<vmem>>
          %dma_start3A_54 = tpu.memref_squeeze %dma_start3A_53 : memref<1x64xi32, #tpu.memory_space<vmem>> -> memref<64xi32, #tpu.memory_space<vmem>>
          %dma_start3A_55 = arith.constant 0 : i32
          %dma_start3A_56 = arith.constant 0 : i32
          %dma_start3A_57 = tpu.memref_slice %arg11[%dma_start3A_55, %dma_start3A_56] : memref<10240x128xf32, #tpu.memory_space<vmem_shared>> -> memref<10240x128xf32, #tpu.memory_space<vmem_shared>>
          tpu.enqueue_indirect_dma source(%dma_start3A_51 : memref<64x128xf32, #tpu.memory_space<vmem>>) target(%dma_start3A_57 : memref<10240x128xf32, #tpu.memory_space<vmem_shared>>) offsets(%dma_start3A_54 : memref<64xi32, #tpu.memory_space<vmem>>) semaphore(%run_scoped3A : memref<!tpu.dma_semaphore, #tpu.memory_space<semaphore_mem>>) {add = true}
          %dma_wait3A_58 = arith.constant 0 : i32
          %dma_wait3A_59 = arith.constant 0 : i32
          %dma_wait3A_60 = tpu.memref_slice %arg9[%rem3A_34, %dma_wait3A_58, %dma_wait3A_59] : memref<2x64x128xf32, #tpu.memory_space<vmem>> -> memref<1x64x128xf32, #tpu.memory_space<vmem>>
          %dma_wait3A_61 = tpu.memref_squeeze %dma_wait3A_60 : memref<1x64x128xf32, #tpu.memory_space<vmem>> -> memref<64x128xf32, #tpu.memory_space<vmem>>
          %dma_wait3A_62 = arith.constant 0 : i32
          %dma_wait3A_63 = tpu.memref_slice %arg8[%sub3A_48, %dma_wait3A_62] : memref<256x64xi32, #tpu.memory_space<vmem>> -> memref<1x64xi32, #tpu.memory_space<vmem>>
          %dma_wait3A_64 = tpu.memref_squeeze %dma_wait3A_63 : memref<1x64xi32, #tpu.memory_space<vmem>> -> memref<64xi32, #tpu.memory_space<vmem>>
          %dma_wait3A_65 = arith.constant 0 : i32
          %dma_wait3A_66 = arith.constant 0 : i32
          %dma_wait3A_67 = tpu.memref_slice %arg11[%dma_wait3A_65, %dma_wait3A_66] : memref<10240x128xf32, #tpu.memory_space<vmem_shared>> -> memref<10240x128xf32, #tpu.memory_space<vmem_shared>>
          tpu.wait_indirect_dma semaphore(%run_scoped3A : memref<!tpu.dma_semaphore, #tpu.memory_space<semaphore_mem>>) src(%dma_wait3A_61 : memref<64x128xf32, #tpu.memory_space<vmem>>) dst(%dma_wait3A_67 : memref<10240x128xf32, #tpu.memory_space<vmem_shared>>)
          tpu.yield
        }) : () -> ()
      } else {
      }
    }
    %scan3A_16 = arith.constant 257 : i32
    %barrier3A_17 = arith.constant 0 : index
    tpu.barrier barrier_id(%barrier3A_17)
    %mul3A_18 = arith.constant 640 : i32
    %mul3A_19 = arith.muli %arg1, %mul3A_18 : i32
    %mul3A_20 = arith.constant 640 : i32
    %mul3A_21 = arith.muli %arg1, %mul3A_20 : i32
    "tpu.region"() ({
      %run_scoped3A = tpu.sem_alloc : memref<!tpu.dma_semaphore, #tpu.memory_space<semaphore_mem>>
      %dma_start3A = arith.constant 0 : i32
      %dma_start3A_22 = tpu.memref_slice %arg6[%arg0, %mul3A_21, %dma_start3A] : memref<2x10240x128xf32, #tpu.memory_space<hbm>> -> memref<1x640x128xf32, #tpu.memory_space<hbm>>
      %dma_start3A_23 = tpu.memref_squeeze %dma_start3A_22 : memref<1x640x128xf32, #tpu.memory_space<hbm>> -> memref<640x128xf32, #tpu.memory_space<hbm>>
      %dma_start3A_24 = arith.constant 0 : i32
      %dma_start3A_25 = tpu.memref_slice %arg11[%mul3A_19, %dma_start3A_24] : memref<10240x128xf32, #tpu.memory_space<vmem_shared>> -> memref<640x128xf32, #tpu.memory_space<vmem_shared>>
      tpu.enqueue_dma source(%dma_start3A_25 : memref<640x128xf32, #tpu.memory_space<vmem_shared>>) target(%dma_start3A_23 : memref<640x128xf32, #tpu.memory_space<hbm>>) target_semaphore(%run_scoped3A : memref<!tpu.dma_semaphore, #tpu.memory_space<semaphore_mem>>)
      %dma_wait3A = arith.constant 0 : i32
      %dma_wait3A_26 = tpu.memref_slice %arg6[%arg0, %mul3A_21, %dma_wait3A] : memref<2x10240x128xf32, #tpu.memory_space<hbm>> -> memref<1x640x128xf32, #tpu.memory_space<hbm>>
      %dma_wait3A_27 = tpu.memref_squeeze %dma_wait3A_26 : memref<1x640x128xf32, #tpu.memory_space<hbm>> -> memref<640x128xf32, #tpu.memory_space<hbm>>
      %dma_wait3A_28 = arith.constant 0 : i32
      %dma_wait3A_29 = tpu.memref_slice %arg11[%mul3A_19, %dma_wait3A_28] : memref<10240x128xf32, #tpu.memory_space<vmem_shared>> -> memref<640x128xf32, #tpu.memory_space<vmem_shared>>
      tpu.wait_dma2 semaphore(%run_scoped3A : memref<!tpu.dma_semaphore, #tpu.memory_space<semaphore_mem>>) src(%dma_wait3A_29 : memref<640x128xf32, #tpu.memory_space<vmem_shared>>) dst(%dma_wait3A_27 : memref<640x128xf32, #tpu.memory_space<hbm>>)
      tpu.yield
    }) : () -> ()
    return
  }
}

#map = affine_map<(d0, d1) -> (0, 0)>
#map1 = affine_map<(d0, d1) -> (0, 0, 0)>
module attributes {stable_mosaic.version = 14 : i64} {
  func.func @_deg(%arg0: i32, %arg1: i32, %arg2: memref<5376x64xi32, #tpu.memory_space<hbm>>, %arg3: memref<64x128xf32, #tpu.memory_space<hbm>>, %arg4: memref<10240x128xf32, #tpu.memory_space<hbm>>, %arg5: memref<2x10240x128xf32, #tpu.memory_space<hbm>>, %arg6: memref<160x64xi32, #tpu.memory_space<vmem>>, %arg7: memref<64x128xf32, #tpu.memory_space<vmem>>, %arg8: memref<10240x128xf32, #tpu.memory_space<vmem_shared>>, %arg9: memref<!tpu.dma_semaphore, #tpu.memory_space<semaphore_mem>>) attributes {dimension_semantics = [#tpu.dimension_semantics<core_parallel>, #tpu.dimension_semantics<subcore_parallel>], iteration_bounds = array<i64: 2, 16>, scalar_prefetch = 0 : i64, scratch_operands = 4 : i64, tpu.core_type = #tpu.core_type<sc_vector_subcore>, window_params = [{transform_indices = #map}, {transform_indices = #map}, {transform_indices = #map}, {transform_indices = #map1}]} {
    "tpu.region"() ({
      %run_scoped3A = tpu.sem_alloc : memref<!tpu.dma_semaphore, #tpu.memory_space<semaphore_mem>>
      tpu.enqueue_dma source(%arg3 : memref<64x128xf32, #tpu.memory_space<hbm>>) target(%arg7 : memref<64x128xf32, #tpu.memory_space<vmem>>) target_semaphore(%run_scoped3A : memref<!tpu.dma_semaphore, #tpu.memory_space<semaphore_mem>>)
      tpu.wait_dma2 semaphore(%run_scoped3A : memref<!tpu.dma_semaphore, #tpu.memory_space<semaphore_mem>>) src(%arg3 : memref<64x128xf32, #tpu.memory_space<hbm>>) dst(%arg7 : memref<64x128xf32, #tpu.memory_space<vmem>>)
      tpu.yield
    }) : () -> ()
    %mul3A = arith.constant 640 : i32
    %mul3A_0 = arith.muli %arg1, %mul3A : i32
    %mul3A_1 = arith.constant 640 : i32
    %mul3A_2 = arith.muli %arg1, %mul3A_1 : i32
    "tpu.region"() ({
      %run_scoped3A = tpu.sem_alloc : memref<!tpu.dma_semaphore, #tpu.memory_space<semaphore_mem>>
      %dma_start3A = arith.constant 0 : i32
      %dma_start3A_21 = tpu.memref_slice %arg8[%mul3A_2, %dma_start3A] : memref<10240x128xf32, #tpu.memory_space<vmem_shared>> -> memref<640x128xf32, #tpu.memory_space<vmem_shared>>
      %dma_start3A_22 = arith.constant 0 : i32
      %dma_start3A_23 = tpu.memref_slice %arg4[%mul3A_0, %dma_start3A_22] : memref<10240x128xf32, #tpu.memory_space<hbm>> -> memref<640x128xf32, #tpu.memory_space<hbm>>
      tpu.enqueue_dma source(%dma_start3A_23 : memref<640x128xf32, #tpu.memory_space<hbm>>) target(%dma_start3A_21 : memref<640x128xf32, #tpu.memory_space<vmem_shared>>) target_semaphore(%run_scoped3A : memref<!tpu.dma_semaphore, #tpu.memory_space<semaphore_mem>>)
      %dma_wait3A = arith.constant 0 : i32
      %dma_wait3A_24 = tpu.memref_slice %arg8[%mul3A_2, %dma_wait3A] : memref<10240x128xf32, #tpu.memory_space<vmem_shared>> -> memref<640x128xf32, #tpu.memory_space<vmem_shared>>
      %dma_wait3A_25 = arith.constant 0 : i32
      %dma_wait3A_26 = tpu.memref_slice %arg4[%mul3A_0, %dma_wait3A_25] : memref<10240x128xf32, #tpu.memory_space<hbm>> -> memref<640x128xf32, #tpu.memory_space<hbm>>
      tpu.wait_dma2 semaphore(%run_scoped3A : memref<!tpu.dma_semaphore, #tpu.memory_space<semaphore_mem>>) src(%dma_wait3A_26 : memref<640x128xf32, #tpu.memory_space<hbm>>) dst(%dma_wait3A_24 : memref<640x128xf32, #tpu.memory_space<vmem_shared>>)
      tpu.yield
    }) : () -> ()
    %barrier3A = arith.constant 0 : index
    tpu.barrier barrier_id(%barrier3A)
    %mul3A_3 = arith.constant 16 : i32
    %mul3A_4 = arith.muli %arg0, %mul3A_3 : i32
    %add3A = arith.addi %mul3A_4, %arg1 : i32
    %mul3A_5 = arith.constant 160 : i32
    %mul3A_6 = arith.muli %add3A, %mul3A_5 : i32
    "tpu.region"() ({
      %run_scoped3A = tpu.sem_alloc : memref<!tpu.dma_semaphore, #tpu.memory_space<semaphore_mem>>
      %dma_start3A = arith.constant 0 : i32
      %dma_start3A_21 = tpu.memref_slice %arg2[%mul3A_6, %dma_start3A] : memref<5376x64xi32, #tpu.memory_space<hbm>> -> memref<160x64xi32, #tpu.memory_space<hbm>>
      %dma_start3A_22 = arith.constant 0 : i32
      %dma_start3A_23 = tpu.memref_slice %arg2[%mul3A_6, %dma_start3A_22] : memref<5376x64xi32, #tpu.memory_space<hbm>> -> memref<160x64xi32, #tpu.memory_space<hbm>>
      tpu.enqueue_dma source(%dma_start3A_23 : memref<160x64xi32, #tpu.memory_space<hbm>>) target(%arg6 : memref<160x64xi32, #tpu.memory_space<vmem>>) target_semaphore(%run_scoped3A : memref<!tpu.dma_semaphore, #tpu.memory_space<semaphore_mem>>)
      %dma_wait3A = arith.constant 0 : i32
      %dma_wait3A_24 = tpu.memref_slice %arg2[%mul3A_6, %dma_wait3A] : memref<5376x64xi32, #tpu.memory_space<hbm>> -> memref<160x64xi32, #tpu.memory_space<hbm>>
      %dma_wait3A_25 = arith.constant 0 : i32
      %dma_wait3A_26 = tpu.memref_slice %arg2[%mul3A_6, %dma_wait3A_25] : memref<5376x64xi32, #tpu.memory_space<hbm>> -> memref<160x64xi32, #tpu.memory_space<hbm>>
      tpu.wait_dma2 semaphore(%run_scoped3A : memref<!tpu.dma_semaphore, #tpu.memory_space<semaphore_mem>>) src(%dma_wait3A_26 : memref<160x64xi32, #tpu.memory_space<hbm>>) dst(%arg6 : memref<160x64xi32, #tpu.memory_space<vmem>>)
      tpu.yield
    }) : () -> ()
    %scan3A = arith.constant 0 : i32
    %scan3A_7 = arith.constant 160 : i32
    %scan3A_8 = arith.addi %scan3A, %scan3A_7 : i32
    %scan3A_9 = arith.constant 1 : i32
    scf.for %scan3A_21 = %scan3A to %scan3A_8 step %scan3A_9  : i32 {
      %mul3A_22 = arith.constant 1 : i32
      %mul3A_23 = arith.muli %scan3A_21, %mul3A_22 : i32
      %add3A_24 = arith.constant 0 : i32
      %add3A_25 = arith.addi %add3A_24, %mul3A_23 : i32
      %dma_start3A = arith.constant 0 : i32
      %dma_start3A_26 = tpu.memref_slice %arg6[%add3A_25, %dma_start3A] : memref<160x64xi32, #tpu.memory_space<vmem>> -> memref<1x64xi32, #tpu.memory_space<vmem>>
      %dma_start3A_27 = tpu.memref_squeeze %dma_start3A_26 : memref<1x64xi32, #tpu.memory_space<vmem>> -> memref<64xi32, #tpu.memory_space<vmem>>
      %dma_start3A_28 = arith.constant 0 : i32
      %dma_start3A_29 = arith.constant 0 : i32
      %dma_start3A_30 = tpu.memref_slice %arg8[%dma_start3A_28, %dma_start3A_29] : memref<10240x128xf32, #tpu.memory_space<vmem_shared>> -> memref<10240x128xf32, #tpu.memory_space<vmem_shared>>
      tpu.enqueue_indirect_dma source(%arg7 : memref<64x128xf32, #tpu.memory_space<vmem>>) target(%dma_start3A_30 : memref<10240x128xf32, #tpu.memory_space<vmem_shared>>) offsets(%dma_start3A_27 : memref<64xi32, #tpu.memory_space<vmem>>) semaphore(%arg9 : memref<!tpu.dma_semaphore, #tpu.memory_space<semaphore_mem>>) {add = true}
    }
    %scan3A_10 = arith.constant 160 : i32
    %scan3A_11 = arith.constant 0 : i32
    %scan3A_12 = arith.constant 160 : i32
    %scan3A_13 = arith.addi %scan3A_11, %scan3A_12 : i32
    %scan3A_14 = arith.constant 1 : i32
    scf.for %scan3A_21 = %scan3A_11 to %scan3A_13 step %scan3A_14  : i32 {
      %mul3A_22 = arith.constant 1 : i32
      %mul3A_23 = arith.muli %scan3A_21, %mul3A_22 : i32
      %add3A_24 = arith.constant 0 : i32
      %add3A_25 = arith.addi %add3A_24, %mul3A_23 : i32
      %dma_wait3A = arith.constant 0 : i32
      %dma_wait3A_26 = tpu.memref_slice %arg6[%add3A_25, %dma_wait3A] : memref<160x64xi32, #tpu.memory_space<vmem>> -> memref<1x64xi32, #tpu.memory_space<vmem>>
      %dma_wait3A_27 = tpu.memref_squeeze %dma_wait3A_26 : memref<1x64xi32, #tpu.memory_space<vmem>> -> memref<64xi32, #tpu.memory_space<vmem>>
      %dma_wait3A_28 = arith.constant 0 : i32
      %dma_wait3A_29 = arith.constant 0 : i32
      %dma_wait3A_30 = tpu.memref_slice %arg8[%dma_wait3A_28, %dma_wait3A_29] : memref<10240x128xf32, #tpu.memory_space<vmem_shared>> -> memref<10240x128xf32, #tpu.memory_space<vmem_shared>>
      tpu.wait_indirect_dma semaphore(%arg9 : memref<!tpu.dma_semaphore, #tpu.memory_space<semaphore_mem>>) src(%arg7 : memref<64x128xf32, #tpu.memory_space<vmem>>) dst(%dma_wait3A_30 : memref<10240x128xf32, #tpu.memory_space<vmem_shared>>)
    }
    %scan3A_15 = arith.constant 160 : i32
    %barrier3A_16 = arith.constant 0 : index
    tpu.barrier barrier_id(%barrier3A_16)
    %mul3A_17 = arith.constant 640 : i32
    %mul3A_18 = arith.muli %arg1, %mul3A_17 : i32
    %mul3A_19 = arith.constant 640 : i32
    %mul3A_20 = arith.muli %arg1, %mul3A_19 : i32
    "tpu.region"() ({
      %run_scoped3A = tpu.sem_alloc : memref<!tpu.dma_semaphore, #tpu.memory_space<semaphore_mem>>
      %dma_start3A = arith.constant 0 : i32
      %dma_start3A_21 = tpu.memref_slice %arg5[%arg0, %mul3A_20, %dma_start3A] : memref<2x10240x128xf32, #tpu.memory_space<hbm>> -> memref<1x640x128xf32, #tpu.memory_space<hbm>>
      %dma_start3A_22 = tpu.memref_squeeze %dma_start3A_21 : memref<1x640x128xf32, #tpu.memory_space<hbm>> -> memref<640x128xf32, #tpu.memory_space<hbm>>
      %dma_start3A_23 = arith.constant 0 : i32
      %dma_start3A_24 = tpu.memref_slice %arg8[%mul3A_18, %dma_start3A_23] : memref<10240x128xf32, #tpu.memory_space<vmem_shared>> -> memref<640x128xf32, #tpu.memory_space<vmem_shared>>
      tpu.enqueue_dma source(%dma_start3A_24 : memref<640x128xf32, #tpu.memory_space<vmem_shared>>) target(%dma_start3A_22 : memref<640x128xf32, #tpu.memory_space<hbm>>) target_semaphore(%run_scoped3A : memref<!tpu.dma_semaphore, #tpu.memory_space<semaphore_mem>>)
      %dma_wait3A = arith.constant 0 : i32
      %dma_wait3A_25 = tpu.memref_slice %arg5[%arg0, %mul3A_20, %dma_wait3A] : memref<2x10240x128xf32, #tpu.memory_space<hbm>> -> memref<1x640x128xf32, #tpu.memory_space<hbm>>
      %dma_wait3A_26 = tpu.memref_squeeze %dma_wait3A_25 : memref<1x640x128xf32, #tpu.memory_space<hbm>> -> memref<640x128xf32, #tpu.memory_space<hbm>>
      %dma_wait3A_27 = arith.constant 0 : i32
      %dma_wait3A_28 = tpu.memref_slice %arg8[%mul3A_18, %dma_wait3A_27] : memref<10240x128xf32, #tpu.memory_space<vmem_shared>> -> memref<640x128xf32, #tpu.memory_space<vmem_shared>>
      tpu.wait_dma2 semaphore(%run_scoped3A : memref<!tpu.dma_semaphore, #tpu.memory_space<semaphore_mem>>) src(%dma_wait3A_28 : memref<640x128xf32, #tpu.memory_space<vmem_shared>>) dst(%dma_wait3A_26 : memref<640x128xf32, #tpu.memory_space<hbm>>)
      tpu.yield
    }) : () -> ()
    return
  }
}

#map = affine_map<(d0, d1) -> (0, 0)>
#map1 = affine_map<(d0, d1) -> (0, 0, 0)>
module attributes {stable_mosaic.version = 14 : i64} {
  func.func @_scatter(%arg0: i32, %arg1: i32, %arg2: memref<5376x64xi32, #tpu.memory_space<hbm>>, %arg3: memref<5376x64xi32, #tpu.memory_space<hbm>>, %arg4: memref<10240x128xf32, #tpu.memory_space<hbm>>, %arg5: memref<10240x128xf32, #tpu.memory_space<hbm>>, %arg6: memref<2x10240x128xf32, #tpu.memory_space<hbm>>, %arg7: memref<256x64xi32, #tpu.memory_space<vmem>>, %arg8: memref<256x64xi32, #tpu.memory_space<vmem>>, %arg9: memref<2x64x128xf32, #tpu.memory_space<vmem>>, %arg10: memref<2x!tpu.dma_semaphore, #tpu.memory_space<semaphore_mem>>, %arg11: memref<10240x128xf32, #tpu.memory_space<vmem_shared>>) attributes {dimension_semantics = [#tpu.dimension_semantics<core_parallel>, #tpu.dimension_semantics<subcore_parallel>], iteration_bounds = array<i64: 2, 16>, scalar_prefetch = 0 : i64, scratch_operands = 5 : i64, tpu.core_type = #tpu.core_type<sc_vector_subcore>, window_params = [{transform_indices = #map}, {transform_indices = #map}, {transform_indices = #map}, {transform_indices = #map}, {transform_indices = #map1}]} {
    %eq3A = arith.constant 0 : i32
    %eq3A_0 = arith.cmpi eq, %arg0, %eq3A : i32
    %jit3A = arith.constant 256 : i32
    %jit3A_1 = arith.constant 64 : i32
    %select_n3A = arith.select %eq3A_0, %jit3A, %jit3A_1 : i32
    %eq3A_2 = arith.constant 0 : i32
    %eq3A_3 = arith.cmpi eq, %arg0, %eq3A_2 : i32
    %mul3A = arith.constant 256 : i32
    %mul3A_4 = arith.muli %arg1, %mul3A : i32
    %mul3A_5 = arith.constant 64 : i32
    %mul3A_6 = arith.muli %arg1, %mul3A_5 : i32
    %add3A = arith.constant 4096 : i32
    %add3A_7 = arith.addi %add3A, %mul3A_6 : i32
    %select_n3A_8 = arith.select %eq3A_3, %mul3A_4, %add3A_7 : i32
    "tpu.region"() ({
      %run_scoped3A = tpu.sem_alloc : memref<!tpu.dma_semaphore, #tpu.memory_space<semaphore_mem>>
      %dma_start3A = arith.constant 0 : i32
      %dma_start3A_22 = tpu.memref_slice %arg2[%select_n3A_8, %dma_start3A] : memref<5376x64xi32, #tpu.memory_space<hbm>> -> memref<256x64xi32, #tpu.memory_space<hbm>>
      %dma_start3A_23 = arith.constant 0 : i32
      %dma_start3A_24 = tpu.memref_slice %arg2[%select_n3A_8, %dma_start3A_23] : memref<5376x64xi32, #tpu.memory_space<hbm>> -> memref<256x64xi32, #tpu.memory_space<hbm>>
      tpu.enqueue_dma source(%dma_start3A_24 : memref<256x64xi32, #tpu.memory_space<hbm>>) target(%arg7 : memref<256x64xi32, #tpu.memory_space<vmem>>) target_semaphore(%run_scoped3A : memref<!tpu.dma_semaphore, #tpu.memory_space<semaphore_mem>>)
      %dma_wait3A = arith.constant 0 : i32
      %dma_wait3A_25 = tpu.memref_slice %arg2[%select_n3A_8, %dma_wait3A] : memref<5376x64xi32, #tpu.memory_space<hbm>> -> memref<256x64xi32, #tpu.memory_space<hbm>>
      %dma_wait3A_26 = arith.constant 0 : i32
      %dma_wait3A_27 = tpu.memref_slice %arg2[%select_n3A_8, %dma_wait3A_26] : memref<5376x64xi32, #tpu.memory_space<hbm>> -> memref<256x64xi32, #tpu.memory_space<hbm>>
      tpu.wait_dma2 semaphore(%run_scoped3A : memref<!tpu.dma_semaphore, #tpu.memory_space<semaphore_mem>>) src(%dma_wait3A_27 : memref<256x64xi32, #tpu.memory_space<hbm>>) dst(%arg7 : memref<256x64xi32, #tpu.memory_space<vmem>>)
      tpu.yield
    }) : () -> ()
    "tpu.region"() ({
      %run_scoped3A = tpu.sem_alloc : memref<!tpu.dma_semaphore, #tpu.memory_space<semaphore_mem>>
      %dma_start3A = arith.constant 0 : i32
      %dma_start3A_22 = tpu.memref_slice %arg3[%select_n3A_8, %dma_start3A] : memref<5376x64xi32, #tpu.memory_space<hbm>> -> memref<256x64xi32, #tpu.memory_space<hbm>>
      %dma_start3A_23 = arith.constant 0 : i32
      %dma_start3A_24 = tpu.memref_slice %arg3[%select_n3A_8, %dma_start3A_23] : memref<5376x64xi32, #tpu.memory_space<hbm>> -> memref<256x64xi32, #tpu.memory_space<hbm>>
      tpu.enqueue_dma source(%dma_start3A_24 : memref<256x64xi32, #tpu.memory_space<hbm>>) target(%arg8 : memref<256x64xi32, #tpu.memory_space<vmem>>) target_semaphore(%run_scoped3A : memref<!tpu.dma_semaphore, #tpu.memory_space<semaphore_mem>>)
      %dma_wait3A = arith.constant 0 : i32
      %dma_wait3A_25 = tpu.memref_slice %arg3[%select_n3A_8, %dma_wait3A] : memref<5376x64xi32, #tpu.memory_space<hbm>> -> memref<256x64xi32, #tpu.memory_space<hbm>>
      %dma_wait3A_26 = arith.constant 0 : i32
      %dma_wait3A_27 = tpu.memref_slice %arg3[%select_n3A_8, %dma_wait3A_26] : memref<5376x64xi32, #tpu.memory_space<hbm>> -> memref<256x64xi32, #tpu.memory_space<hbm>>
      tpu.wait_dma2 semaphore(%run_scoped3A : memref<!tpu.dma_semaphore, #tpu.memory_space<semaphore_mem>>) src(%dma_wait3A_27 : memref<256x64xi32, #tpu.memory_space<hbm>>) dst(%arg8 : memref<256x64xi32, #tpu.memory_space<vmem>>)
      tpu.yield
    }) : () -> ()
    %mul3A_9 = arith.constant 640 : i32
    %mul3A_10 = arith.muli %arg1, %mul3A_9 : i32
    %mul3A_11 = arith.constant 640 : i32
    %mul3A_12 = arith.muli %arg1, %mul3A_11 : i32
    "tpu.region"() ({
      %run_scoped3A = tpu.sem_alloc : memref<!tpu.dma_semaphore, #tpu.memory_space<semaphore_mem>>
      %dma_start3A = arith.constant 0 : i32
      %dma_start3A_22 = tpu.memref_slice %arg11[%mul3A_12, %dma_start3A] : memref<10240x128xf32, #tpu.memory_space<vmem_shared>> -> memref<640x128xf32, #tpu.memory_space<vmem_shared>>
      %dma_start3A_23 = arith.constant 0 : i32
      %dma_start3A_24 = tpu.memref_slice %arg5[%mul3A_10, %dma_start3A_23] : memref<10240x128xf32, #tpu.memory_space<hbm>> -> memref<640x128xf32, #tpu.memory_space<hbm>>
      tpu.enqueue_dma source(%dma_start3A_24 : memref<640x128xf32, #tpu.memory_space<hbm>>) target(%dma_start3A_22 : memref<640x128xf32, #tpu.memory_space<vmem_shared>>) target_semaphore(%run_scoped3A : memref<!tpu.dma_semaphore, #tpu.memory_space<semaphore_mem>>)
      %dma_wait3A = arith.constant 0 : i32
      %dma_wait3A_25 = tpu.memref_slice %arg11[%mul3A_12, %dma_wait3A] : memref<10240x128xf32, #tpu.memory_space<vmem_shared>> -> memref<640x128xf32, #tpu.memory_space<vmem_shared>>
      %dma_wait3A_26 = arith.constant 0 : i32
      %dma_wait3A_27 = tpu.memref_slice %arg5[%mul3A_10, %dma_wait3A_26] : memref<10240x128xf32, #tpu.memory_space<hbm>> -> memref<640x128xf32, #tpu.memory_space<hbm>>
      tpu.wait_dma2 semaphore(%run_scoped3A : memref<!tpu.dma_semaphore, #tpu.memory_space<semaphore_mem>>) src(%dma_wait3A_27 : memref<640x128xf32, #tpu.memory_space<hbm>>) dst(%dma_wait3A_25 : memref<640x128xf32, #tpu.memory_space<vmem_shared>>)
      tpu.yield
    }) : () -> ()
    %barrier3A = arith.constant 0 : index
    tpu.barrier barrier_id(%barrier3A)
    %scan3A = arith.constant 0 : i32
    %scan3A_13 = arith.constant 257 : i32
    %scan3A_14 = arith.addi %scan3A, %scan3A_13 : i32
    %scan3A_15 = arith.constant 1 : i32
    scf.for %scan3A_22 = %scan3A to %scan3A_14 step %scan3A_15  : i32 {
      %mul3A_23 = arith.constant 1 : i32
      %mul3A_24 = arith.muli %scan3A_22, %mul3A_23 : i32
      %add3A_25 = arith.constant 0 : i32
      %add3A_26 = arith.addi %add3A_25, %mul3A_24 : i32
      %lt3A = arith.cmpi slt, %add3A_26, %select_n3A : i32
      %convert_element_type3A = arith.extui %lt3A : i1 to i32
      %cond3A = arith.constant 0 : i32
      %cond3A_27 = arith.cmpi ne, %convert_element_type3A, %cond3A : i32
      scf.if %cond3A_27 {
        %rem3A = arith.constant 2 : i32
        %rem3A_32 = arith.remsi %add3A_26, %rem3A : i32
        %dma_start3A = arith.constant 0 : i32
        %dma_start3A_33 = arith.constant 0 : i32
        %dma_start3A_34 = tpu.memref_slice %arg9[%rem3A_32, %dma_start3A, %dma_start3A_33] : memref<2x64x128xf32, #tpu.memory_space<vmem>> -> memref<1x64x128xf32, #tpu.memory_space<vmem>>
        %dma_start3A_35 = tpu.memref_squeeze %dma_start3A_34 : memref<1x64x128xf32, #tpu.memory_space<vmem>> -> memref<64x128xf32, #tpu.memory_space<vmem>>
        %dma_start3A_36 = arith.constant 0 : i32
        %dma_start3A_37 = tpu.memref_slice %arg7[%add3A_26, %dma_start3A_36] : memref<256x64xi32, #tpu.memory_space<vmem>> -> memref<1x64xi32, #tpu.memory_space<vmem>>
        %dma_start3A_38 = tpu.memref_squeeze %dma_start3A_37 : memref<1x64xi32, #tpu.memory_space<vmem>> -> memref<64xi32, #tpu.memory_space<vmem>>
        %dma_start3A_39 = arith.constant 0 : i32
        %dma_start3A_40 = arith.constant 0 : i32
        %dma_start3A_41 = tpu.memref_slice %arg4[%dma_start3A_39, %dma_start3A_40] : memref<10240x128xf32, #tpu.memory_space<hbm>> -> memref<10240x128xf32, #tpu.memory_space<hbm>>
        %dma_start3A_42 = tpu.memref_slice %arg10[%rem3A_32] : memref<2x!tpu.dma_semaphore, #tpu.memory_space<semaphore_mem>> -> memref<1x!tpu.dma_semaphore, #tpu.memory_space<semaphore_mem>>
        %dma_start3A_43 = tpu.memref_squeeze %dma_start3A_42 : memref<1x!tpu.dma_semaphore, #tpu.memory_space<semaphore_mem>> -> memref<!tpu.dma_semaphore, #tpu.memory_space<semaphore_mem>>
        tpu.enqueue_indirect_dma source(%dma_start3A_41 : memref<10240x128xf32, #tpu.memory_space<hbm>>) target(%dma_start3A_35 : memref<64x128xf32, #tpu.memory_space<vmem>>) offsets(%dma_start3A_38 : memref<64xi32, #tpu.memory_space<vmem>>) semaphore(%dma_start3A_43 : memref<!tpu.dma_semaphore, #tpu.memory_space<semaphore_mem>>)
      } else {
      }
      %gt3A = arith.constant 0 : i32
      %gt3A_28 = arith.cmpi sgt, %add3A_26, %gt3A : i32
      %le3A = arith.cmpi sle, %add3A_26, %select_n3A : i32
      %and3A = arith.andi %gt3A_28, %le3A : i1
      %convert_element_type3A_29 = arith.extui %and3A : i1 to i32
      %cond3A_30 = arith.constant 0 : i32
      %cond3A_31 = arith.cmpi ne, %convert_element_type3A_29, %cond3A_30 : i32
      scf.if %cond3A_31 {
        %add3A_32 = arith.constant 1 : i32
        %add3A_33 = arith.addi %add3A_26, %add3A_32 : i32
        %rem3A = arith.constant 2 : i32
        %rem3A_34 = arith.remsi %add3A_33, %rem3A : i32
        %sub3A = arith.constant 1 : i32
        %sub3A_35 = arith.subi %add3A_26, %sub3A : i32
        %dma_wait3A = arith.constant 0 : i32
        %dma_wait3A_36 = arith.constant 0 : i32
        %dma_wait3A_37 = tpu.memref_slice %arg9[%rem3A_34, %dma_wait3A, %dma_wait3A_36] : memref<2x64x128xf32, #tpu.memory_space<vmem>> -> memref<1x64x128xf32, #tpu.memory_space<vmem>>
        %dma_wait3A_38 = tpu.memref_squeeze %dma_wait3A_37 : memref<1x64x128xf32, #tpu.memory_space<vmem>> -> memref<64x128xf32, #tpu.memory_space<vmem>>
        %dma_wait3A_39 = arith.constant 0 : i32
        %dma_wait3A_40 = tpu.memref_slice %arg7[%sub3A_35, %dma_wait3A_39] : memref<256x64xi32, #tpu.memory_space<vmem>> -> memref<1x64xi32, #tpu.memory_space<vmem>>
        %dma_wait3A_41 = tpu.memref_squeeze %dma_wait3A_40 : memref<1x64xi32, #tpu.memory_space<vmem>> -> memref<64xi32, #tpu.memory_space<vmem>>
        %dma_wait3A_42 = arith.constant 0 : i32
        %dma_wait3A_43 = arith.constant 0 : i32
        %dma_wait3A_44 = tpu.memref_slice %arg4[%dma_wait3A_42, %dma_wait3A_43] : memref<10240x128xf32, #tpu.memory_space<hbm>> -> memref<10240x128xf32, #tpu.memory_space<hbm>>
        %dma_wait3A_45 = tpu.memref_slice %arg10[%rem3A_34] : memref<2x!tpu.dma_semaphore, #tpu.memory_space<semaphore_mem>> -> memref<1x!tpu.dma_semaphore, #tpu.memory_space<semaphore_mem>>
        %dma_wait3A_46 = tpu.memref_squeeze %dma_wait3A_45 : memref<1x!tpu.dma_semaphore, #tpu.memory_space<semaphore_mem>> -> memref<!tpu.dma_semaphore, #tpu.memory_space<semaphore_mem>>
        tpu.wait_indirect_dma semaphore(%dma_wait3A_46 : memref<!tpu.dma_semaphore, #tpu.memory_space<semaphore_mem>>) src(%dma_wait3A_44 : memref<10240x128xf32, #tpu.memory_space<hbm>>) dst(%dma_wait3A_38 : memref<64x128xf32, #tpu.memory_space<vmem>>)
        %sub3A_47 = arith.constant 1 : i32
        %sub3A_48 = arith.subi %add3A_26, %sub3A_47 : i32
        "tpu.region"() ({
          %run_scoped3A = tpu.sem_alloc : memref<!tpu.dma_semaphore, #tpu.memory_space<semaphore_mem>>
          %dma_start3A = arith.constant 0 : i32
          %dma_start3A_49 = arith.constant 0 : i32
          %dma_start3A_50 = tpu.memref_slice %arg9[%rem3A_34, %dma_start3A, %dma_start3A_49] : memref<2x64x128xf32, #tpu.memory_space<vmem>> -> memref<1x64x128xf32, #tpu.memory_space<vmem>>
          %dma_start3A_51 = tpu.memref_squeeze %dma_start3A_50 : memref<1x64x128xf32, #tpu.memory_space<vmem>> -> memref<64x128xf32, #tpu.memory_space<vmem>>
          %dma_start3A_52 = arith.constant 0 : i32
          %dma_start3A_53 = tpu.memref_slice %arg8[%sub3A_48, %dma_start3A_52] : memref<256x64xi32, #tpu.memory_space<vmem>> -> memref<1x64xi32, #tpu.memory_space<vmem>>
          %dma_start3A_54 = tpu.memref_squeeze %dma_start3A_53 : memref<1x64xi32, #tpu.memory_space<vmem>> -> memref<64xi32, #tpu.memory_space<vmem>>
          %dma_start3A_55 = arith.constant 0 : i32
          %dma_start3A_56 = arith.constant 0 : i32
          %dma_start3A_57 = tpu.memref_slice %arg11[%dma_start3A_55, %dma_start3A_56] : memref<10240x128xf32, #tpu.memory_space<vmem_shared>> -> memref<10240x128xf32, #tpu.memory_space<vmem_shared>>
          tpu.enqueue_indirect_dma source(%dma_start3A_51 : memref<64x128xf32, #tpu.memory_space<vmem>>) target(%dma_start3A_57 : memref<10240x128xf32, #tpu.memory_space<vmem_shared>>) offsets(%dma_start3A_54 : memref<64xi32, #tpu.memory_space<vmem>>) semaphore(%run_scoped3A : memref<!tpu.dma_semaphore, #tpu.memory_space<semaphore_mem>>) {add = true}
          %dma_wait3A_58 = arith.constant 0 : i32
          %dma_wait3A_59 = arith.constant 0 : i32
          %dma_wait3A_60 = tpu.memref_slice %arg9[%rem3A_34, %dma_wait3A_58, %dma_wait3A_59] : memref<2x64x128xf32, #tpu.memory_space<vmem>> -> memref<1x64x128xf32, #tpu.memory_space<vmem>>
          %dma_wait3A_61 = tpu.memref_squeeze %dma_wait3A_60 : memref<1x64x128xf32, #tpu.memory_space<vmem>> -> memref<64x128xf32, #tpu.memory_space<vmem>>
          %dma_wait3A_62 = arith.constant 0 : i32
          %dma_wait3A_63 = tpu.memref_slice %arg8[%sub3A_48, %dma_wait3A_62] : memref<256x64xi32, #tpu.memory_space<vmem>> -> memref<1x64xi32, #tpu.memory_space<vmem>>
          %dma_wait3A_64 = tpu.memref_squeeze %dma_wait3A_63 : memref<1x64xi32, #tpu.memory_space<vmem>> -> memref<64xi32, #tpu.memory_space<vmem>>
          %dma_wait3A_65 = arith.constant 0 : i32
          %dma_wait3A_66 = arith.constant 0 : i32
          %dma_wait3A_67 = tpu.memref_slice %arg11[%dma_wait3A_65, %dma_wait3A_66] : memref<10240x128xf32, #tpu.memory_space<vmem_shared>> -> memref<10240x128xf32, #tpu.memory_space<vmem_shared>>
          tpu.wait_indirect_dma semaphore(%run_scoped3A : memref<!tpu.dma_semaphore, #tpu.memory_space<semaphore_mem>>) src(%dma_wait3A_61 : memref<64x128xf32, #tpu.memory_space<vmem>>) dst(%dma_wait3A_67 : memref<10240x128xf32, #tpu.memory_space<vmem_shared>>)
          tpu.yield
        }) : () -> ()
      } else {
      }
    }
    %scan3A_16 = arith.constant 257 : i32
    %barrier3A_17 = arith.constant 0 : index
    tpu.barrier barrier_id(%barrier3A_17)
    %mul3A_18 = arith.constant 640 : i32
    %mul3A_19 = arith.muli %arg1, %mul3A_18 : i32
    %mul3A_20 = arith.constant 640 : i32
    %mul3A_21 = arith.muli %arg1, %mul3A_20 : i32
    "tpu.region"() ({
      %run_scoped3A = tpu.sem_alloc : memref<!tpu.dma_semaphore, #tpu.memory_space<semaphore_mem>>
      %dma_start3A = arith.constant 0 : i32
      %dma_start3A_22 = tpu.memref_slice %arg6[%arg0, %mul3A_21, %dma_start3A] : memref<2x10240x128xf32, #tpu.memory_space<hbm>> -> memref<1x640x128xf32, #tpu.memory_space<hbm>>
      %dma_start3A_23 = tpu.memref_squeeze %dma_start3A_22 : memref<1x640x128xf32, #tpu.memory_space<hbm>> -> memref<640x128xf32, #tpu.memory_space<hbm>>
      %dma_start3A_24 = arith.constant 0 : i32
      %dma_start3A_25 = tpu.memref_slice %arg11[%mul3A_19, %dma_start3A_24] : memref<10240x128xf32, #tpu.memory_space<vmem_shared>> -> memref<640x128xf32, #tpu.memory_space<vmem_shared>>
      tpu.enqueue_dma source(%dma_start3A_25 : memref<640x128xf32, #tpu.memory_space<vmem_shared>>) target(%dma_start3A_23 : memref<640x128xf32, #tpu.memory_space<hbm>>) target_semaphore(%run_scoped3A : memref<!tpu.dma_semaphore, #tpu.memory_space<semaphore_mem>>)
      %dma_wait3A = arith.constant 0 : i32
      %dma_wait3A_26 = tpu.memref_slice %arg6[%arg0, %mul3A_21, %dma_wait3A] : memref<2x10240x128xf32, #tpu.memory_space<hbm>> -> memref<1x640x128xf32, #tpu.memory_space<hbm>>
      %dma_wait3A_27 = tpu.memref_squeeze %dma_wait3A_26 : memref<1x640x128xf32, #tpu.memory_space<hbm>> -> memref<640x128xf32, #tpu.memory_space<hbm>>
      %dma_wait3A_28 = arith.constant 0 : i32
      %dma_wait3A_29 = tpu.memref_slice %arg11[%mul3A_19, %dma_wait3A_28] : memref<10240x128xf32, #tpu.memory_space<vmem_shared>> -> memref<640x128xf32, #tpu.memory_space<vmem_shared>>
      tpu.wait_dma2 semaphore(%run_scoped3A : memref<!tpu.dma_semaphore, #tpu.memory_space<semaphore_mem>>) src(%dma_wait3A_29 : memref<640x128xf32, #tpu.memory_space<vmem_shared>>) dst(%dma_wait3A_27 : memref<640x128xf32, #tpu.memory_space<hbm>>)
      tpu.yield
    }) : () -> ()
    return
  }
}

#map = affine_map<(d0, d1) -> (0, 0)>
#map1 = affine_map<(d0, d1) -> (0, 0, 0)>
module attributes {stable_mosaic.version = 14 : i64} {
  func.func @_scatter(%arg0: i32, %arg1: i32, %arg2: memref<5376x64xi32, #tpu.memory_space<hbm>>, %arg3: memref<5376x64xi32, #tpu.memory_space<hbm>>, %arg4: memref<10240x128xf32, #tpu.memory_space<hbm>>, %arg5: memref<10240x128xf32, #tpu.memory_space<hbm>>, %arg6: memref<2x10240x128xf32, #tpu.memory_space<hbm>>, %arg7: memref<256x64xi32, #tpu.memory_space<vmem>>, %arg8: memref<256x64xi32, #tpu.memory_space<vmem>>, %arg9: memref<2x64x128xf32, #tpu.memory_space<vmem>>, %arg10: memref<2x!tpu.dma_semaphore, #tpu.memory_space<semaphore_mem>>, %arg11: memref<10240x128xf32, #tpu.memory_space<vmem_shared>>) attributes {dimension_semantics = [#tpu.dimension_semantics<core_parallel>, #tpu.dimension_semantics<subcore_parallel>], iteration_bounds = array<i64: 2, 16>, scalar_prefetch = 0 : i64, scratch_operands = 5 : i64, tpu.core_type = #tpu.core_type<sc_vector_subcore>, window_params = [{transform_indices = #map}, {transform_indices = #map}, {transform_indices = #map}, {transform_indices = #map}, {transform_indices = #map1}]} {
    %eq3A = arith.constant 0 : i32
    %eq3A_0 = arith.cmpi eq, %arg0, %eq3A : i32
    %jit3A = arith.constant 256 : i32
    %jit3A_1 = arith.constant 64 : i32
    %select_n3A = arith.select %eq3A_0, %jit3A, %jit3A_1 : i32
    %eq3A_2 = arith.constant 0 : i32
    %eq3A_3 = arith.cmpi eq, %arg0, %eq3A_2 : i32
    %mul3A = arith.constant 256 : i32
    %mul3A_4 = arith.muli %arg1, %mul3A : i32
    %mul3A_5 = arith.constant 64 : i32
    %mul3A_6 = arith.muli %arg1, %mul3A_5 : i32
    %add3A = arith.constant 4096 : i32
    %add3A_7 = arith.addi %add3A, %mul3A_6 : i32
    %select_n3A_8 = arith.select %eq3A_3, %mul3A_4, %add3A_7 : i32
    "tpu.region"() ({
      %run_scoped3A = tpu.sem_alloc : memref<!tpu.dma_semaphore, #tpu.memory_space<semaphore_mem>>
      %dma_start3A = arith.constant 0 : i32
      %dma_start3A_22 = tpu.memref_slice %arg2[%select_n3A_8, %dma_start3A] : memref<5376x64xi32, #tpu.memory_space<hbm>> -> memref<256x64xi32, #tpu.memory_space<hbm>>
      %dma_start3A_23 = arith.constant 0 : i32
      %dma_start3A_24 = tpu.memref_slice %arg2[%select_n3A_8, %dma_start3A_23] : memref<5376x64xi32, #tpu.memory_space<hbm>> -> memref<256x64xi32, #tpu.memory_space<hbm>>
      tpu.enqueue_dma source(%dma_start3A_24 : memref<256x64xi32, #tpu.memory_space<hbm>>) target(%arg7 : memref<256x64xi32, #tpu.memory_space<vmem>>) target_semaphore(%run_scoped3A : memref<!tpu.dma_semaphore, #tpu.memory_space<semaphore_mem>>)
      %dma_wait3A = arith.constant 0 : i32
      %dma_wait3A_25 = tpu.memref_slice %arg2[%select_n3A_8, %dma_wait3A] : memref<5376x64xi32, #tpu.memory_space<hbm>> -> memref<256x64xi32, #tpu.memory_space<hbm>>
      %dma_wait3A_26 = arith.constant 0 : i32
      %dma_wait3A_27 = tpu.memref_slice %arg2[%select_n3A_8, %dma_wait3A_26] : memref<5376x64xi32, #tpu.memory_space<hbm>> -> memref<256x64xi32, #tpu.memory_space<hbm>>
      tpu.wait_dma2 semaphore(%run_scoped3A : memref<!tpu.dma_semaphore, #tpu.memory_space<semaphore_mem>>) src(%dma_wait3A_27 : memref<256x64xi32, #tpu.memory_space<hbm>>) dst(%arg7 : memref<256x64xi32, #tpu.memory_space<vmem>>)
      tpu.yield
    }) : () -> ()
    "tpu.region"() ({
      %run_scoped3A = tpu.sem_alloc : memref<!tpu.dma_semaphore, #tpu.memory_space<semaphore_mem>>
      %dma_start3A = arith.constant 0 : i32
      %dma_start3A_22 = tpu.memref_slice %arg3[%select_n3A_8, %dma_start3A] : memref<5376x64xi32, #tpu.memory_space<hbm>> -> memref<256x64xi32, #tpu.memory_space<hbm>>
      %dma_start3A_23 = arith.constant 0 : i32
      %dma_start3A_24 = tpu.memref_slice %arg3[%select_n3A_8, %dma_start3A_23] : memref<5376x64xi32, #tpu.memory_space<hbm>> -> memref<256x64xi32, #tpu.memory_space<hbm>>
      tpu.enqueue_dma source(%dma_start3A_24 : memref<256x64xi32, #tpu.memory_space<hbm>>) target(%arg8 : memref<256x64xi32, #tpu.memory_space<vmem>>) target_semaphore(%run_scoped3A : memref<!tpu.dma_semaphore, #tpu.memory_space<semaphore_mem>>)
      %dma_wait3A = arith.constant 0 : i32
      %dma_wait3A_25 = tpu.memref_slice %arg3[%select_n3A_8, %dma_wait3A] : memref<5376x64xi32, #tpu.memory_space<hbm>> -> memref<256x64xi32, #tpu.memory_space<hbm>>
      %dma_wait3A_26 = arith.constant 0 : i32
      %dma_wait3A_27 = tpu.memref_slice %arg3[%select_n3A_8, %dma_wait3A_26] : memref<5376x64xi32, #tpu.memory_space<hbm>> -> memref<256x64xi32, #tpu.memory_space<hbm>>
      tpu.wait_dma2 semaphore(%run_scoped3A : memref<!tpu.dma_semaphore, #tpu.memory_space<semaphore_mem>>) src(%dma_wait3A_27 : memref<256x64xi32, #tpu.memory_space<hbm>>) dst(%arg8 : memref<256x64xi32, #tpu.memory_space<vmem>>)
      tpu.yield
    }) : () -> ()
    %mul3A_9 = arith.constant 640 : i32
    %mul3A_10 = arith.muli %arg1, %mul3A_9 : i32
    %mul3A_11 = arith.constant 640 : i32
    %mul3A_12 = arith.muli %arg1, %mul3A_11 : i32
    "tpu.region"() ({
      %run_scoped3A = tpu.sem_alloc : memref<!tpu.dma_semaphore, #tpu.memory_space<semaphore_mem>>
      %dma_start3A = arith.constant 0 : i32
      %dma_start3A_22 = tpu.memref_slice %arg11[%mul3A_12, %dma_start3A] : memref<10240x128xf32, #tpu.memory_space<vmem_shared>> -> memref<640x128xf32, #tpu.memory_space<vmem_shared>>
      %dma_start3A_23 = arith.constant 0 : i32
      %dma_start3A_24 = tpu.memref_slice %arg5[%mul3A_10, %dma_start3A_23] : memref<10240x128xf32, #tpu.memory_space<hbm>> -> memref<640x128xf32, #tpu.memory_space<hbm>>
      tpu.enqueue_dma source(%dma_start3A_24 : memref<640x128xf32, #tpu.memory_space<hbm>>) target(%dma_start3A_22 : memref<640x128xf32, #tpu.memory_space<vmem_shared>>) target_semaphore(%run_scoped3A : memref<!tpu.dma_semaphore, #tpu.memory_space<semaphore_mem>>)
      %dma_wait3A = arith.constant 0 : i32
      %dma_wait3A_25 = tpu.memref_slice %arg11[%mul3A_12, %dma_wait3A] : memref<10240x128xf32, #tpu.memory_space<vmem_shared>> -> memref<640x128xf32, #tpu.memory_space<vmem_shared>>
      %dma_wait3A_26 = arith.constant 0 : i32
      %dma_wait3A_27 = tpu.memref_slice %arg5[%mul3A_10, %dma_wait3A_26] : memref<10240x128xf32, #tpu.memory_space<hbm>> -> memref<640x128xf32, #tpu.memory_space<hbm>>
      tpu.wait_dma2 semaphore(%run_scoped3A : memref<!tpu.dma_semaphore, #tpu.memory_space<semaphore_mem>>) src(%dma_wait3A_27 : memref<640x128xf32, #tpu.memory_space<hbm>>) dst(%dma_wait3A_25 : memref<640x128xf32, #tpu.memory_space<vmem_shared>>)
      tpu.yield
    }) : () -> ()
    %barrier3A = arith.constant 0 : index
    tpu.barrier barrier_id(%barrier3A)
    %scan3A = arith.constant 0 : i32
    %scan3A_13 = arith.constant 257 : i32
    %scan3A_14 = arith.addi %scan3A, %scan3A_13 : i32
    %scan3A_15 = arith.constant 1 : i32
    scf.for %scan3A_22 = %scan3A to %scan3A_14 step %scan3A_15  : i32 {
      %mul3A_23 = arith.constant 1 : i32
      %mul3A_24 = arith.muli %scan3A_22, %mul3A_23 : i32
      %add3A_25 = arith.constant 0 : i32
      %add3A_26 = arith.addi %add3A_25, %mul3A_24 : i32
      %lt3A = arith.cmpi slt, %add3A_26, %select_n3A : i32
      %convert_element_type3A = arith.extui %lt3A : i1 to i32
      %cond3A = arith.constant 0 : i32
      %cond3A_27 = arith.cmpi ne, %convert_element_type3A, %cond3A : i32
      scf.if %cond3A_27 {
        %rem3A = arith.constant 2 : i32
        %rem3A_32 = arith.remsi %add3A_26, %rem3A : i32
        %dma_start3A = arith.constant 0 : i32
        %dma_start3A_33 = arith.constant 0 : i32
        %dma_start3A_34 = tpu.memref_slice %arg9[%rem3A_32, %dma_start3A, %dma_start3A_33] : memref<2x64x128xf32, #tpu.memory_space<vmem>> -> memref<1x64x128xf32, #tpu.memory_space<vmem>>
        %dma_start3A_35 = tpu.memref_squeeze %dma_start3A_34 : memref<1x64x128xf32, #tpu.memory_space<vmem>> -> memref<64x128xf32, #tpu.memory_space<vmem>>
        %dma_start3A_36 = arith.constant 0 : i32
        %dma_start3A_37 = tpu.memref_slice %arg7[%add3A_26, %dma_start3A_36] : memref<256x64xi32, #tpu.memory_space<vmem>> -> memref<1x64xi32, #tpu.memory_space<vmem>>
        %dma_start3A_38 = tpu.memref_squeeze %dma_start3A_37 : memref<1x64xi32, #tpu.memory_space<vmem>> -> memref<64xi32, #tpu.memory_space<vmem>>
        %dma_start3A_39 = arith.constant 0 : i32
        %dma_start3A_40 = arith.constant 0 : i32
        %dma_start3A_41 = tpu.memref_slice %arg4[%dma_start3A_39, %dma_start3A_40] : memref<10240x128xf32, #tpu.memory_space<hbm>> -> memref<10240x128xf32, #tpu.memory_space<hbm>>
        %dma_start3A_42 = tpu.memref_slice %arg10[%rem3A_32] : memref<2x!tpu.dma_semaphore, #tpu.memory_space<semaphore_mem>> -> memref<1x!tpu.dma_semaphore, #tpu.memory_space<semaphore_mem>>
        %dma_start3A_43 = tpu.memref_squeeze %dma_start3A_42 : memref<1x!tpu.dma_semaphore, #tpu.memory_space<semaphore_mem>> -> memref<!tpu.dma_semaphore, #tpu.memory_space<semaphore_mem>>
        tpu.enqueue_indirect_dma source(%dma_start3A_41 : memref<10240x128xf32, #tpu.memory_space<hbm>>) target(%dma_start3A_35 : memref<64x128xf32, #tpu.memory_space<vmem>>) offsets(%dma_start3A_38 : memref<64xi32, #tpu.memory_space<vmem>>) semaphore(%dma_start3A_43 : memref<!tpu.dma_semaphore, #tpu.memory_space<semaphore_mem>>)
      } else {
      }
      %gt3A = arith.constant 0 : i32
      %gt3A_28 = arith.cmpi sgt, %add3A_26, %gt3A : i32
      %le3A = arith.cmpi sle, %add3A_26, %select_n3A : i32
      %and3A = arith.andi %gt3A_28, %le3A : i1
      %convert_element_type3A_29 = arith.extui %and3A : i1 to i32
      %cond3A_30 = arith.constant 0 : i32
      %cond3A_31 = arith.cmpi ne, %convert_element_type3A_29, %cond3A_30 : i32
      scf.if %cond3A_31 {
        %add3A_32 = arith.constant 1 : i32
        %add3A_33 = arith.addi %add3A_26, %add3A_32 : i32
        %rem3A = arith.constant 2 : i32
        %rem3A_34 = arith.remsi %add3A_33, %rem3A : i32
        %sub3A = arith.constant 1 : i32
        %sub3A_35 = arith.subi %add3A_26, %sub3A : i32
        %dma_wait3A = arith.constant 0 : i32
        %dma_wait3A_36 = arith.constant 0 : i32
        %dma_wait3A_37 = tpu.memref_slice %arg9[%rem3A_34, %dma_wait3A, %dma_wait3A_36] : memref<2x64x128xf32, #tpu.memory_space<vmem>> -> memref<1x64x128xf32, #tpu.memory_space<vmem>>
        %dma_wait3A_38 = tpu.memref_squeeze %dma_wait3A_37 : memref<1x64x128xf32, #tpu.memory_space<vmem>> -> memref<64x128xf32, #tpu.memory_space<vmem>>
        %dma_wait3A_39 = arith.constant 0 : i32
        %dma_wait3A_40 = tpu.memref_slice %arg7[%sub3A_35, %dma_wait3A_39] : memref<256x64xi32, #tpu.memory_space<vmem>> -> memref<1x64xi32, #tpu.memory_space<vmem>>
        %dma_wait3A_41 = tpu.memref_squeeze %dma_wait3A_40 : memref<1x64xi32, #tpu.memory_space<vmem>> -> memref<64xi32, #tpu.memory_space<vmem>>
        %dma_wait3A_42 = arith.constant 0 : i32
        %dma_wait3A_43 = arith.constant 0 : i32
        %dma_wait3A_44 = tpu.memref_slice %arg4[%dma_wait3A_42, %dma_wait3A_43] : memref<10240x128xf32, #tpu.memory_space<hbm>> -> memref<10240x128xf32, #tpu.memory_space<hbm>>
        %dma_wait3A_45 = tpu.memref_slice %arg10[%rem3A_34] : memref<2x!tpu.dma_semaphore, #tpu.memory_space<semaphore_mem>> -> memref<1x!tpu.dma_semaphore, #tpu.memory_space<semaphore_mem>>
        %dma_wait3A_46 = tpu.memref_squeeze %dma_wait3A_45 : memref<1x!tpu.dma_semaphore, #tpu.memory_space<semaphore_mem>> -> memref<!tpu.dma_semaphore, #tpu.memory_space<semaphore_mem>>
        tpu.wait_indirect_dma semaphore(%dma_wait3A_46 : memref<!tpu.dma_semaphore, #tpu.memory_space<semaphore_mem>>) src(%dma_wait3A_44 : memref<10240x128xf32, #tpu.memory_space<hbm>>) dst(%dma_wait3A_38 : memref<64x128xf32, #tpu.memory_space<vmem>>)
        %sub3A_47 = arith.constant 1 : i32
        %sub3A_48 = arith.subi %add3A_26, %sub3A_47 : i32
        "tpu.region"() ({
          %run_scoped3A = tpu.sem_alloc : memref<!tpu.dma_semaphore, #tpu.memory_space<semaphore_mem>>
          %dma_start3A = arith.constant 0 : i32
          %dma_start3A_49 = arith.constant 0 : i32
          %dma_start3A_50 = tpu.memref_slice %arg9[%rem3A_34, %dma_start3A, %dma_start3A_49] : memref<2x64x128xf32, #tpu.memory_space<vmem>> -> memref<1x64x128xf32, #tpu.memory_space<vmem>>
          %dma_start3A_51 = tpu.memref_squeeze %dma_start3A_50 : memref<1x64x128xf32, #tpu.memory_space<vmem>> -> memref<64x128xf32, #tpu.memory_space<vmem>>
          %dma_start3A_52 = arith.constant 0 : i32
          %dma_start3A_53 = tpu.memref_slice %arg8[%sub3A_48, %dma_start3A_52] : memref<256x64xi32, #tpu.memory_space<vmem>> -> memref<1x64xi32, #tpu.memory_space<vmem>>
          %dma_start3A_54 = tpu.memref_squeeze %dma_start3A_53 : memref<1x64xi32, #tpu.memory_space<vmem>> -> memref<64xi32, #tpu.memory_space<vmem>>
          %dma_start3A_55 = arith.constant 0 : i32
          %dma_start3A_56 = arith.constant 0 : i32
          %dma_start3A_57 = tpu.memref_slice %arg11[%dma_start3A_55, %dma_start3A_56] : memref<10240x128xf32, #tpu.memory_space<vmem_shared>> -> memref<10240x128xf32, #tpu.memory_space<vmem_shared>>
          tpu.enqueue_indirect_dma source(%dma_start3A_51 : memref<64x128xf32, #tpu.memory_space<vmem>>) target(%dma_start3A_57 : memref<10240x128xf32, #tpu.memory_space<vmem_shared>>) offsets(%dma_start3A_54 : memref<64xi32, #tpu.memory_space<vmem>>) semaphore(%run_scoped3A : memref<!tpu.dma_semaphore, #tpu.memory_space<semaphore_mem>>) {add = true}
          %dma_wait3A_58 = arith.constant 0 : i32
          %dma_wait3A_59 = arith.constant 0 : i32
          %dma_wait3A_60 = tpu.memref_slice %arg9[%rem3A_34, %dma_wait3A_58, %dma_wait3A_59] : memref<2x64x128xf32, #tpu.memory_space<vmem>> -> memref<1x64x128xf32, #tpu.memory_space<vmem>>
          %dma_wait3A_61 = tpu.memref_squeeze %dma_wait3A_60 : memref<1x64x128xf32, #tpu.memory_space<vmem>> -> memref<64x128xf32, #tpu.memory_space<vmem>>
          %dma_wait3A_62 = arith.constant 0 : i32
          %dma_wait3A_63 = tpu.memref_slice %arg8[%sub3A_48, %dma_wait3A_62] : memref<256x64xi32, #tpu.memory_space<vmem>> -> memref<1x64xi32, #tpu.memory_space<vmem>>
          %dma_wait3A_64 = tpu.memref_squeeze %dma_wait3A_63 : memref<1x64xi32, #tpu.memory_space<vmem>> -> memref<64xi32, #tpu.memory_space<vmem>>
          %dma_wait3A_65 = arith.constant 0 : i32
          %dma_wait3A_66 = arith.constant 0 : i32
          %dma_wait3A_67 = tpu.memref_slice %arg11[%dma_wait3A_65, %dma_wait3A_66] : memref<10240x128xf32, #tpu.memory_space<vmem_shared>> -> memref<10240x128xf32, #tpu.memory_space<vmem_shared>>
          tpu.wait_indirect_dma semaphore(%run_scoped3A : memref<!tpu.dma_semaphore, #tpu.memory_space<semaphore_mem>>) src(%dma_wait3A_61 : memref<64x128xf32, #tpu.memory_space<vmem>>) dst(%dma_wait3A_67 : memref<10240x128xf32, #tpu.memory_space<vmem_shared>>)
          tpu.yield
        }) : () -> ()
      } else {
      }
    }
    %scan3A_16 = arith.constant 257 : i32
    %barrier3A_17 = arith.constant 0 : index
    tpu.barrier barrier_id(%barrier3A_17)
    %mul3A_18 = arith.constant 640 : i32
    %mul3A_19 = arith.muli %arg1, %mul3A_18 : i32
    %mul3A_20 = arith.constant 640 : i32
    %mul3A_21 = arith.muli %arg1, %mul3A_20 : i32
    "tpu.region"() ({
      %run_scoped3A = tpu.sem_alloc : memref<!tpu.dma_semaphore, #tpu.memory_space<semaphore_mem>>
      %dma_start3A = arith.constant 0 : i32
      %dma_start3A_22 = tpu.memref_slice %arg6[%arg0, %mul3A_21, %dma_start3A] : memref<2x10240x128xf32, #tpu.memory_space<hbm>> -> memref<1x640x128xf32, #tpu.memory_space<hbm>>
      %dma_start3A_23 = tpu.memref_squeeze %dma_start3A_22 : memref<1x640x128xf32, #tpu.memory_space<hbm>> -> memref<640x128xf32, #tpu.memory_space<hbm>>
      %dma_start3A_24 = arith.constant 0 : i32
      %dma_start3A_25 = tpu.memref_slice %arg11[%mul3A_19, %dma_start3A_24] : memref<10240x128xf32, #tpu.memory_space<vmem_shared>> -> memref<640x128xf32, #tpu.memory_space<vmem_shared>>
      tpu.enqueue_dma source(%dma_start3A_25 : memref<640x128xf32, #tpu.memory_space<vmem_shared>>) target(%dma_start3A_23 : memref<640x128xf32, #tpu.memory_space<hbm>>) target_semaphore(%run_scoped3A : memref<!tpu.dma_semaphore, #tpu.memory_space<semaphore_mem>>)
      %dma_wait3A = arith.constant 0 : i32
      %dma_wait3A_26 = tpu.memref_slice %arg6[%arg0, %mul3A_21, %dma_wait3A] : memref<2x10240x128xf32, #tpu.memory_space<hbm>> -> memref<1x640x128xf32, #tpu.memory_space<hbm>>
      %dma_wait3A_27 = tpu.memref_squeeze %dma_wait3A_26 : memref<1x640x128xf32, #tpu.memory_space<hbm>> -> memref<640x128xf32, #tpu.memory_space<hbm>>
      %dma_wait3A_28 = arith.constant 0 : i32
      %dma_wait3A_29 = tpu.memref_slice %arg11[%mul3A_19, %dma_wait3A_28] : memref<10240x128xf32, #tpu.memory_space<vmem_shared>> -> memref<640x128xf32, #tpu.memory_space<vmem_shared>>
      tpu.wait_dma2 semaphore(%run_scoped3A : memref<!tpu.dma_semaphore, #tpu.memory_space<semaphore_mem>>) src(%dma_wait3A_29 : memref<640x128xf32, #tpu.memory_space<vmem_shared>>) dst(%dma_wait3A_27 : memref<640x128xf32, #tpu.memory_space<hbm>>)
      tpu.yield
    }) : () -> ()
    return
  }
}

module attributes {stable_mosaic.version = 14 : i64} {
  func.func @_tc_first(%arg0: i32, %arg1: memref<256x128xf32, #tpu.memory_space<vmem>>, %arg2: memref<128x128xf32, #tpu.memory_space<vmem>>, %arg3: memref<2x256x128xf32, #tpu.memory_space<vmem>>, %arg4: memref<256x128xf32, #tpu.memory_space<vmem>>, %arg5: memref<256x128xf32, #tpu.memory_space<vmem>>) attributes {dimension_semantics = [#tpu.dimension_semantics<arbitrary>], iteration_bounds = array<i64: 40>, scalar_prefetch = 0 : i64, scratch_operands = 0 : i64, tpu.core_type = #tpu.core_type<tc>, window_params = [{transform_indices = @transform_0, window_bounds = array<i64: 256, 128>}, {pipeline_mode = #tpu.pipeline_mode<synchronous>, transform_indices = @transform_1, window_bounds = array<i64: 128, 128>}, {transform_indices = @transform_2, window_bounds = array<i64: 2, 256, 128>}, {transform_indices = @transform_3, window_bounds = array<i64: 256, 128>}, {transform_indices = @transform_4, window_bounds = array<i64: 256, 128>}]} {
    %get3A = arith.constant 0 : index
    %get3A_0 = arith.constant 0 : index
    %get3A_1 = arith.constant 0 : index
    %get3A_2 = vector.load %arg3[%get3A, %get3A_0, %get3A_1] : memref<2x256x128xf32, #tpu.memory_space<vmem>>, vector<1x256x128xf32>
    %get3A_3 = vector.shape_cast %get3A_2 : vector<1x256x128xf32> to vector<256x128xf32>
    %get3A_4 = arith.constant 1 : index
    %get3A_5 = arith.constant 0 : index
    %get3A_6 = arith.constant 0 : index
    %get3A_7 = vector.load %arg3[%get3A_4, %get3A_5, %get3A_6] : memref<2x256x128xf32, #tpu.memory_space<vmem>>, vector<1x256x128xf32>
    %get3A_8 = vector.shape_cast %get3A_7 : vector<1x256x128xf32> to vector<256x128xf32>
    %add3A = arith.addf %get3A_3, %get3A_8 : vector<256x128xf32>
    %slice3A = vector.extract_strided_slice %add3A {offsets = [0, 0], sizes = [256, 1], strides = [1, 1]} : vector<256x128xf32> to vector<256x1xf32>
    %add3A_9 = arith.constant 1.000000e+00 : f32
    %add3A_10 = vector.broadcast %add3A_9 : f32 to vector<256x1xf32>
    %add3A_11 = arith.addf %slice3A, %add3A_10 : vector<256x1xf32>
    %max3A = arith.constant 1.000000e+00 : f32
    %max3A_12 = vector.broadcast %max3A : f32 to vector<256x1xf32>
    %max3A_13 = arith.maximumf %add3A_11, %max3A_12 : vector<256x1xf32>
    %rsqrt3A = math.rsqrt %max3A_13 : vector<256x1xf32>
    %broadcast_in_dim3A = vector.shape_cast %rsqrt3A : vector<256x1xf32> to vector<256x1xf32>
    %broadcast_in_dim3A_14 = vector.broadcast %broadcast_in_dim3A : vector<256x1xf32> to vector<256x128xf32>
    %get3A_15 = arith.constant 0 : index
    %get3A_16 = arith.constant 0 : index
    %get3A_17 = vector.load %arg1[%get3A_15, %get3A_16] : memref<256x128xf32, #tpu.memory_space<vmem>>, vector<256x128xf32>
    %get3A_18 = arith.constant 0 : index
    %get3A_19 = arith.constant 0 : index
    %get3A_20 = vector.load %arg2[%get3A_18, %get3A_19] : memref<128x128xf32, #tpu.memory_space<vmem>>, vector<128x128xf32>
    %dot_general3A = arith.constant dense<0.000000e+00> : vector<256x128xf32>
    %dot_general3A_21 = tpu.matmul %get3A_17, %get3A_20, %dot_general3A {dimension_numbers = #tpu.dot_dimension_numbers<[1], [0], [0], [1], [0, 0, 1, 1], [], []>, transpose_lhs_hint = false} : vector<256x128xf32>, vector<128x128xf32>, vector<256x128xf32> -> vector<256x128xf32>
    %mul3A = arith.mulf %broadcast_in_dim3A_14, %dot_general3A_21 : vector<256x128xf32>
    %swap3A = arith.constant 0 : index
    %swap3A_22 = arith.constant 0 : index
    %swap3A_23 = vector.load %arg4[%swap3A, %swap3A_22] : memref<256x128xf32, #tpu.memory_space<vmem>>, vector<256x128xf32>
    tpu.vector_store %arg4[%swap3A, %swap3A_22], %mul3A {strides = array<i32>} : memref<256x128xf32, #tpu.memory_space<vmem>>, vector<256x128xf32>,
    %swap3A_24 = arith.constant 0 : index
    %swap3A_25 = arith.constant 0 : index
    %swap3A_26 = vector.load %arg5[%swap3A_24, %swap3A_25] : memref<256x128xf32, #tpu.memory_space<vmem>>, vector<256x128xf32>
    tpu.vector_store %arg5[%swap3A_24, %swap3A_25], %broadcast_in_dim3A_14 {strides = array<i32>} : memref<256x128xf32, #tpu.memory_space<vmem>>, vector<256x128xf32>,
    return
  }
  func.func @transform_0(%arg0: i32) -> (i32, i32) {
    %c0_i32 = arith.constant 0 : i32
    %c0_i32_0 = arith.constant 0 : i32
    return %arg0, %c0_i32 : i32, i32
  }
  func.func @transform_1(%arg0: i32) -> (i32, i32) {
    %c0_i32 = arith.constant 0 : i32
    %c0_i32_0 = arith.constant 0 : i32
    %c0_i32_1 = arith.constant 0 : i32
    return %c0_i32, %c0_i32_0 : i32, i32
  }
  func.func @transform_2(%arg0: i32) -> (i32, i32, i32) {
    %c0_i32 = arith.constant 0 : i32
    %c0_i32_0 = arith.constant 0 : i32
    %c0_i32_1 = arith.constant 0 : i32
    return %c0_i32, %arg0, %c0_i32_0 : i32, i32, i32
  }
  func.func @transform_3(%arg0: i32) -> (i32, i32) {
    %c0_i32 = arith.constant 0 : i32
    %c0_i32_0 = arith.constant 0 : i32
    return %arg0, %c0_i32 : i32, i32
  }
  func.func @transform_4(%arg0: i32) -> (i32, i32) {
    %c0_i32 = arith.constant 0 : i32
    %c0_i32_0 = arith.constant 0 : i32
    return %arg0, %c0_i32 : i32, i32
  }
}

module attributes {stable_mosaic.version = 14 : i64} {
  func.func @_tc_mid(%arg0: i32, %arg1: memref<2x256x128xf32, #tpu.memory_space<vmem>>, %arg2: memref<256x128xf32, #tpu.memory_space<vmem>>, %arg3: memref<256x128xf32, #tpu.memory_space<vmem>>, %arg4: memref<128xf32, #tpu.memory_space<vmem>>, %arg5: memref<128xf32, #tpu.memory_space<vmem>>, %arg6: memref<128xf32, #tpu.memory_space<vmem>>, %arg7: memref<128x128xf32, #tpu.memory_space<vmem>>, %arg8: memref<256x128xf32, #tpu.memory_space<vmem>>) attributes {dimension_semantics = [#tpu.dimension_semantics<arbitrary>], iteration_bounds = array<i64: 40>, scalar_prefetch = 0 : i64, scratch_operands = 0 : i64, tpu.core_type = #tpu.core_type<tc>, window_params = [{transform_indices = @transform_0, window_bounds = array<i64: 2, 256, 128>}, {transform_indices = @transform_1, window_bounds = array<i64: 256, 128>}, {transform_indices = @transform_2, window_bounds = array<i64: 256, 128>}, {pipeline_mode = #tpu.pipeline_mode<synchronous>, transform_indices = @transform_3, window_bounds = array<i64: 128>}, {pipeline_mode = #tpu.pipeline_mode<synchronous>, transform_indices = @transform_4, window_bounds = array<i64: 128>}, {pipeline_mode = #tpu.pipeline_mode<synchronous>, transform_indices = @transform_5, window_bounds = array<i64: 128>}, {pipeline_mode = #tpu.pipeline_mode<synchronous>, transform_indices = @transform_6, window_bounds = array<i64: 128, 128>}, {transform_indices = @transform_7, window_bounds = array<i64: 256, 128>}]} {
    %get3A = arith.constant 0 : index
    %get3A_0 = arith.constant 0 : index
    %get3A_1 = vector.load %arg3[%get3A, %get3A_0] : memref<256x128xf32, #tpu.memory_space<vmem>>, vector<256x128xf32>
    %get3A_2 = arith.constant 0 : index
    %get3A_3 = arith.constant 0 : index
    %get3A_4 = arith.constant 0 : index
    %get3A_5 = vector.load %arg1[%get3A_2, %get3A_3, %get3A_4] : memref<2x256x128xf32, #tpu.memory_space<vmem>>, vector<1x256x128xf32>
    %get3A_6 = vector.shape_cast %get3A_5 : vector<1x256x128xf32> to vector<256x128xf32>
    %get3A_7 = arith.constant 1 : index
    %get3A_8 = arith.constant 0 : index
    %get3A_9 = arith.constant 0 : index
    %get3A_10 = vector.load %arg1[%get3A_7, %get3A_8, %get3A_9] : memref<2x256x128xf32, #tpu.memory_space<vmem>>, vector<1x256x128xf32>
    %get3A_11 = vector.shape_cast %get3A_10 : vector<1x256x128xf32> to vector<256x128xf32>
    %add3A = arith.addf %get3A_6, %get3A_11 : vector<256x128xf32>
    %get3A_12 = arith.constant 0 : index
    %get3A_13 = arith.constant 0 : index
    %get3A_14 = vector.load %arg2[%get3A_12, %get3A_13] : memref<256x128xf32, #tpu.memory_space<vmem>>, vector<256x128xf32>
    %add3A_15 = arith.addf %add3A, %get3A_14 : vector<256x128xf32>
    %mul3A = arith.mulf %get3A_1, %add3A_15 : vector<256x128xf32>
    %get3A_16 = arith.constant 0 : index
    %get3A_17 = vector.load %arg4[%get3A_16] : memref<128xf32, #tpu.memory_space<vmem>>, vector<128xf32>
    %broadcast_in_dim3A = vector.shape_cast %get3A_17 : vector<128xf32> to vector<1x128xf32>
    %add3A_18 = vector.broadcast %broadcast_in_dim3A : vector<1x128xf32> to vector<256x128xf32>
    %add3A_19 = arith.addf %mul3A, %add3A_18 : vector<256x128xf32>
    %get3A_20 = arith.constant 0 : index
    %get3A_21 = vector.load %arg5[%get3A_20] : memref<128xf32, #tpu.memory_space<vmem>>, vector<128xf32>
    %sqrt3A = arith.constant 1.000010e+00 : f32
    %sqrt3A_22 = math.sqrt %sqrt3A : f32
    %div3A = vector.broadcast %sqrt3A_22 : f32 to vector<128xf32>
    %div3A_23 = arith.divf %get3A_21, %div3A : vector<128xf32>
    %broadcast_in_dim3A_24 = vector.shape_cast %div3A_23 : vector<128xf32> to vector<1x128xf32>
    %mul3A_25 = vector.broadcast %broadcast_in_dim3A_24 : vector<1x128xf32> to vector<256x128xf32>
    %mul3A_26 = arith.mulf %add3A_19, %mul3A_25 : vector<256x128xf32>
    %get3A_27 = arith.constant 0 : index
    %get3A_28 = vector.load %arg6[%get3A_27] : memref<128xf32, #tpu.memory_space<vmem>>, vector<128xf32>
    %broadcast_in_dim3A_29 = vector.shape_cast %get3A_28 : vector<128xf32> to vector<1x128xf32>
    %add3A_30 = vector.broadcast %broadcast_in_dim3A_29 : vector<1x128xf32> to vector<256x128xf32>
    %add3A_31 = arith.addf %mul3A_26, %add3A_30 : vector<256x128xf32>
    %max3A = arith.constant 0.000000e+00 : f32
    %max3A_32 = vector.broadcast %max3A : f32 to vector<256x128xf32>
    %max3A_33 = arith.maximumf %add3A_31, %max3A_32 : vector<256x128xf32>
    %get3A_34 = arith.constant 0 : index
    %get3A_35 = arith.constant 0 : index
    %get3A_36 = vector.load %arg7[%get3A_34, %get3A_35] : memref<128x128xf32, #tpu.memory_space<vmem>>, vector<128x128xf32>
    %dot_general3A = arith.constant dense<0.000000e+00> : vector<256x128xf32>
    %dot_general3A_37 = tpu.matmul %max3A_33, %get3A_36, %dot_general3A {dimension_numbers = #tpu.dot_dimension_numbers<[1], [0], [0], [1], [0, 0, 1, 1], [], []>, transpose_lhs_hint = false} : vector<256x128xf32>, vector<128x128xf32>, vector<256x128xf32> -> vector<256x128xf32>
    %mul3A_38 = arith.mulf %get3A_1, %dot_general3A_37 : vector<256x128xf32>
    %swap3A = arith.constant 0 : index
    %swap3A_39 = arith.constant 0 : index
    %swap3A_40 = vector.load %arg8[%swap3A, %swap3A_39] : memref<256x128xf32, #tpu.memory_space<vmem>>, vector<256x128xf32>
    tpu.vector_store %arg8[%swap3A, %swap3A_39], %mul3A_38 {strides = array<i32>} : memref<256x128xf32, #tpu.memory_space<vmem>>, vector<256x128xf32>,
    return
  }
  func.func @transform_0(%arg0: i32) -> (i32, i32, i32) {
    %c0_i32 = arith.constant 0 : i32
    %c0_i32_0 = arith.constant 0 : i32
    %c0_i32_1 = arith.constant 0 : i32
    return %c0_i32, %arg0, %c0_i32_0 : i32, i32, i32
  }
  func.func @transform_1(%arg0: i32) -> (i32, i32) {
    %c0_i32 = arith.constant 0 : i32
    %c0_i32_0 = arith.constant 0 : i32
    return %arg0, %c0_i32 : i32, i32
  }
  func.func @transform_2(%arg0: i32) -> (i32, i32) {
    %c0_i32 = arith.constant 0 : i32
    %c0_i32_0 = arith.constant 0 : i32
    return %arg0, %c0_i32 : i32, i32
  }
  func.func @transform_3(%arg0: i32) -> i32 {
    %c0_i32 = arith.constant 0 : i32
    %c0_i32_0 = arith.constant 0 : i32
    return %c0_i32 : i32
  }
  func.func @transform_4(%arg0: i32) -> i32 {
    %c0_i32 = arith.constant 0 : i32
    %c0_i32_0 = arith.constant 0 : i32
    return %c0_i32 : i32
  }
  func.func @transform_5(%arg0: i32) -> i32 {
    %c0_i32 = arith.constant 0 : i32
    %c0_i32_0 = arith.constant 0 : i32
    return %c0_i32 : i32
  }
  func.func @transform_6(%arg0: i32) -> (i32, i32) {
    %c0_i32 = arith.constant 0 : i32
    %c0_i32_0 = arith.constant 0 : i32
    %c0_i32_1 = arith.constant 0 : i32
    return %c0_i32, %c0_i32_0 : i32, i32
  }
  func.func @transform_7(%arg0: i32) -> (i32, i32) {
    %c0_i32 = arith.constant 0 : i32
    %c0_i32_0 = arith.constant 0 : i32
    return %arg0, %c0_i32 : i32, i32
  }
}

module attributes {stable_mosaic.version = 14 : i64} {
  func.func @_tc_last(%arg0: i32, %arg1: memref<2x256x128xf32, #tpu.memory_space<vmem>>, %arg2: memref<256x128xf32, #tpu.memory_space<vmem>>, %arg3: memref<256x128xf32, #tpu.memory_space<vmem>>, %arg4: memref<128xf32, #tpu.memory_space<vmem>>, %arg5: memref<256x128xf32, #tpu.memory_space<vmem>>) attributes {dimension_semantics = [#tpu.dimension_semantics<arbitrary>], iteration_bounds = array<i64: 40>, scalar_prefetch = 0 : i64, scratch_operands = 0 : i64, tpu.core_type = #tpu.core_type<tc>, window_params = [{transform_indices = @transform_0, window_bounds = array<i64: 2, 256, 128>}, {transform_indices = @transform_1, window_bounds = array<i64: 256, 128>}, {transform_indices = @transform_2, window_bounds = array<i64: 256, 128>}, {pipeline_mode = #tpu.pipeline_mode<synchronous>, transform_indices = @transform_3, window_bounds = array<i64: 128>}, {transform_indices = @transform_4, window_bounds = array<i64: 256, 128>}]} {
    %get3A = arith.constant 0 : index
    %get3A_0 = arith.constant 0 : index
    %get3A_1 = vector.load %arg3[%get3A, %get3A_0] : memref<256x128xf32, #tpu.memory_space<vmem>>, vector<256x128xf32>
    %get3A_2 = arith.constant 0 : index
    %get3A_3 = arith.constant 0 : index
    %get3A_4 = arith.constant 0 : index
    %get3A_5 = vector.load %arg1[%get3A_2, %get3A_3, %get3A_4] : memref<2x256x128xf32, #tpu.memory_space<vmem>>, vector<1x256x128xf32>
    %get3A_6 = vector.shape_cast %get3A_5 : vector<1x256x128xf32> to vector<256x128xf32>
    %get3A_7 = arith.constant 1 : index
    %get3A_8 = arith.constant 0 : index
    %get3A_9 = arith.constant 0 : index
    %get3A_10 = vector.load %arg1[%get3A_7, %get3A_8, %get3A_9] : memref<2x256x128xf32, #tpu.memory_space<vmem>>, vector<1x256x128xf32>
    %get3A_11 = vector.shape_cast %get3A_10 : vector<1x256x128xf32> to vector<256x128xf32>
    %add3A = arith.addf %get3A_6, %get3A_11 : vector<256x128xf32>
    %get3A_12 = arith.constant 0 : index
    %get3A_13 = arith.constant 0 : index
    %get3A_14 = vector.load %arg2[%get3A_12, %get3A_13] : memref<256x128xf32, #tpu.memory_space<vmem>>, vector<256x128xf32>
    %add3A_15 = arith.addf %add3A, %get3A_14 : vector<256x128xf32>
    %mul3A = arith.mulf %get3A_1, %add3A_15 : vector<256x128xf32>
    %get3A_16 = arith.constant 0 : index
    %get3A_17 = vector.load %arg4[%get3A_16] : memref<128xf32, #tpu.memory_space<vmem>>, vector<128xf32>
    %broadcast_in_dim3A = vector.shape_cast %get3A_17 : vector<128xf32> to vector<1x128xf32>
    %add3A_18 = vector.broadcast %broadcast_in_dim3A : vector<1x128xf32> to vector<256x128xf32>
    %add3A_19 = arith.addf %mul3A, %add3A_18 : vector<256x128xf32>
    %iota3A = tpu.iota {dimensions = array<i32: 1>} : vector<256x128xi32>
    %lt3A = arith.constant 40 : i32
    %lt3A_20 = vector.broadcast %lt3A : i32 to vector<256x128xi32>
    %lt3A_21 = arith.cmpi slt, %iota3A, %lt3A_20 : vector<256x128xi32>
    %jit3A = arith.constant -1.000000e+30 : f32
    %broadcast_in_dim3A_22 = vector.broadcast %jit3A : f32 to vector<256x128xf32>
    %select_n3A = arith.select %lt3A_21, %add3A_19, %broadcast_in_dim3A_22 : vector<256x128xi1>, vector<256x128xf32>
    %reduce_max3A = arith.constant dense<0xFF800000> : vector<256xf32>
    %reduce_max3A_23 = vector.multi_reduction <maximumf>, %select_n3A, %reduce_max3A [1] : vector<256x128xf32> to vector<256xf32>
    %broadcast_in_dim3A_24 = vector.shape_cast %reduce_max3A_23 : vector<256xf32> to vector<256x1xf32>
    %sub3A = vector.broadcast %broadcast_in_dim3A_24 : vector<256x1xf32> to vector<256x128xf32>
    %sub3A_25 = arith.subf %add3A_19, %sub3A : vector<256x128xf32>
    %exp3A = math.exp %sub3A_25 : vector<256x128xf32>
    %jit3A_26 = arith.constant 0.000000e+00 : f32
    %broadcast_in_dim3A_27 = vector.broadcast %jit3A_26 : f32 to vector<256x128xf32>
    %select_n3A_28 = arith.select %lt3A_21, %exp3A, %broadcast_in_dim3A_27 : vector<256x128xi1>, vector<256x128xf32>
    %reduce_sum3A = arith.constant dense<0.000000e+00> : vector<256xf32>
    %reduce_sum3A_29 = vector.multi_reduction <add>, %select_n3A_28, %reduce_sum3A [1] : vector<256x128xf32> to vector<256xf32>
    %broadcast_in_dim3A_30 = vector.shape_cast %reduce_sum3A_29 : vector<256xf32> to vector<256x1xf32>
    %log3A = math.log %broadcast_in_dim3A_30 : vector<256x1xf32>
    %sub3A_31 = vector.broadcast %log3A : vector<256x1xf32> to vector<256x128xf32>
    %sub3A_32 = arith.subf %sub3A_25, %sub3A_31 : vector<256x128xf32>
    %swap3A = arith.constant 0 : index
    %swap3A_33 = arith.constant 0 : index
    %swap3A_34 = vector.load %arg5[%swap3A, %swap3A_33] : memref<256x128xf32, #tpu.memory_space<vmem>>, vector<256x128xf32>
    tpu.vector_store %arg5[%swap3A, %swap3A_33], %sub3A_32 {strides = array<i32>} : memref<256x128xf32, #tpu.memory_space<vmem>>, vector<256x128xf32>,
    return
  }
  func.func @transform_0(%arg0: i32) -> (i32, i32, i32) {
    %c0_i32 = arith.constant 0 : i32
    %c0_i32_0 = arith.constant 0 : i32
    %c0_i32_1 = arith.constant 0 : i32
    return %c0_i32, %arg0, %c0_i32_0 : i32, i32, i32
  }
  func.func @transform_1(%arg0: i32) -> (i32, i32) {
    %c0_i32 = arith.constant 0 : i32
    %c0_i32_0 = arith.constant 0 : i32
    return %arg0, %c0_i32 : i32, i32
  }
  func.func @transform_2(%arg0: i32) -> (i32, i32) {
    %c0_i32 = arith.constant 0 : i32
    %c0_i32_0 = arith.constant 0 : i32
    return %arg0, %c0_i32 : i32, i32
  }
  func.func @transform_3(%arg0: i32) -> i32 {
    %c0_i32 = arith.constant 0 : i32
    %c0_i32_0 = arith.constant 0 : i32
    return %c0_i32 : i32
  }
  func.func @transform_4(%arg0: i32) -> (i32, i32) {
    %c0_i32 = arith.constant 0 : i32
    %c0_i32_0 = arith.constant 0 : i32
    return %arg0, %c0_i32 : i32, i32
  }
}

</mosaic_0001>

<sc_bundles>
// kernel: kernel.10.cloned.1.call-start
scs
__scs_entry_jumppad:
0x0: {  	(pc) =	sbr.rel $0x88, $3  }
0x1: {  	(tag) =	ssettag $0x0;
	lr =	simm.s32 $0x1  }
0x2: {  	[smem:$0x3F95] =	sst lr;
	_ =	strace $0xD0000000  }
0x3: {  	_ = 	snop  }
0x4: {  	_ = 	snop  }
0x5: {  	_ = 	snop  }
0x6: {  	_ = 	snop  }
0x7: {  	_ = 	snop  }
__scs_overlays_trampoline_lowered:
0x8: {  	[smem:$0x3FA4] =	sst s0  }
0x9: {  	[smem:$0x3FA5] =	sst s1  }
0xa: {  	[smem:$0x3FA6] =	sst s2  }
0xb: {  	[smem:$0x3FA7] =	sst s3  }
0xc: {  	[smem:$0x3FA8] =	sst s4  }
0xd: {  	[smem:$0x3FA9] =	sst s5  }
0xe: {  	[smem:$0x3FAA] =	sst s6  }
0xf: {  	[smem:$0x3FAB] =	sst s7  }
0x10: {  	[smem:$0x3FAC] =	sst s8  }
0x11: {  	[smem:$0x3FAD] =	sst s9;
	s0 =	simm.s32 @!p0 $0x0  }
0x12: {  	s1 =	sld [smem:$0x3F93];
	s0 =	simm.s32 @p0 $0x1  }
0x13: {  	[smem:$0x3FAE] =	sst s0;
	s0 =	simm.s32 @!p1 $0x0  }
0x14: {  	s2 =	sld [smem:$0x3F92];
	s0 =	simm.s32 @p1 $0x1  }
0x15: {  	[smem:$0x3FAF] =	sst s0;
	s0 =	simm.s32 @!p2 $0x0  }
0x16: {  	s3 =	sld [smem:$0x3FDB];
	s0 =	simm.s32 @p2 $0x1  }
0x17: {  	s4 =	simm.s32 $0x1BF5;
	[smem:$0x3FB1] =	sst s0  }
0x18: {  	s0 =	sld [smem:$0x3F94];
	_ =	swait.ge [sflag:s4], $0x0  }
0x19: {  	s7 =	sld [smem:$0x3F95]  }
0x1a: {  	s8 =	sadd.s32 $0xFFFFE003, lr  }
0x1b: {  	s9 =	sadd.s32 $0xFFFFFEF7, lr;
	s5 =	simm.s32 $0xFFFFFFFF;
	p2 =	slt.u32 s8, $0xFFFFF086  }
0x1c: {  	p1 =	slt.u32 s9, $0xF7A;
	s5 =	simm.s32 @!p2 $0x0  }
0x1d: {  	s5 =	simm.s32 @p1 $0x1;
	p0 =	seq.s32 s7, s2  }
0x1e: {  	s7 =	smul.u32 @!p0 $0xF7A, s2;
	p2 =	seq.s32 @!p0 s5, $0x0  }
0x1f: {  	s9 =	smul.u32 $0xF7A, s1;
	s8 =	simm.s32 @!p0 $0x1BF5;
	p2 =	por !p2, p0  }
0x20: {  	[sflag:s8] =	ssyncset.s32 @!p0 $0xFFFFF086;
	s6 =	sadd.s32 @!p0 s3, s7;
	s7 =	simm.s32 @!p0 $0x108  }
0x21: {  	s3 =	sadd.s32 s3, s9;
	s6 =	sadd.s32 @!p0 $0x88, s6;
	s7 =	simm.s32 @p2 $0x1082  }
0x22: {  	[simem:s7], [sflag:s8] =	dma.local @!p0 [hbm:s6], $0xF7A  }
0x23: {  	s9 =	sor.u32 $0xD0000000, s2;
	s6 =	simm.s32 $0x108;
	_ =	swait.ge @!p0 [sflag:s8], $0x0  }
0x24: {  	s3 =	sadd.s32 $0x88, s3;
	s6 =	simm.s32 @!p1 $0x1082;
	[sflag:s4] =	ssyncset.s32 $0xFFFFF086  }
0x25: {  	[simem:s6], [sflag:s4] =	dma.local [hbm:s3], $0xF7A  }
0x26: {  	[smem:$0x3F95] =	sst s1;
	(tag) =	ssettag s2;
	_ =	strace s9  }
0x27: {  	s1 =	sld [smem:$0x3FA5]  }
0x28: {  	s2 =	sld [smem:$0x3FA6]  }
0x29: {  	s4 =	sld [smem:$0x3FA8]  }
0x2a: {  	p0 =	seq.s32 s5, $0x0;
	s5 =	sld [smem:$0x3FA9]  }
0x2b: {  	s6 =	sld [smem:$0x3FAA]  }
0x2c: {  	s7 =	sld [smem:$0x3FAB]  }
0x2d: {  	s3 =	simm.s32 $0x108;
	s8 =	sld [smem:$0x3FAC]  }
0x2e: {  	s3 =	simm.s32 @!p0 $0x1082;
	s9 =	sld [smem:$0x3FAD]  }
0x2f: {  	lr =	sadd.s32 s0, s3;
	s0 =	sld [smem:$0x3FA4]  }
0x30: {  	s3 =	sld [smem:$0x3FA7]  }
0x31: {  	[smem:$0x3FB0] =	sst s10  }
0x32: {  	s10 =	sld [smem:$0x3FAE];
	_ =	sdelay $0x3  }
0x33: {  	p0 =	seq.s32 s10, $0x1;
	s10 =	sld [smem:$0x3FB0];
	_ =	sdelay $0x3  }
0x34: {  	[smem:$0x3FB0] =	sst s10  }
0x35: {  	s10 =	sld [smem:$0x3FAF];
	_ =	sdelay $0x3  }
0x36: {  	p1 =	seq.s32 s10, $0x1;
	s10 =	sld [smem:$0x3FB0];
	_ =	sdelay $0x3  }
0x37: {  	[smem:$0x3FB0] =	sst s10  }
0x38: {  	s10 =	sld [smem:$0x3FB1]  }
0x39: {  	_ = 	snop;
	(pc) =	sbr.ind lr, $3  }
0x3a: {  	_ = 	snop  }
0x3b: {  	_ = 	snop  }
0x3c: {  	p2 =	seq.s32 s10, $0x1;
	s10 =	sld [smem:$0x3FB0]  }
0x3d: {  	_ =	shalt  }
0x3e: {  	_ =	shalt  }
0x3f: {  	_ =	shalt  }
0x40: {  	_ =	shalt  }
0x41: {  	_ =	shalt  }
0x42: {  	_ =	shalt  }
0x43: {  	_ =	shalt  }
0x44: {  	_ =	shalt  }
0x45: {  	_ =	shalt  }
0x46: {  	_ =	shalt  }
0x47: {  	_ =	shalt  }
0x48: {  	_ =	shalt  }
0x49: {  	_ =	shalt  }
0x4a: {  	_ =	shalt  }
0x4b: {  	_ =	shalt  }
0x4c: {  	_ =	shalt  }
0x4d: {  	_ =	shalt  }
0x4e: {  	_ =	shalt  }
0x4f: {  	_ =	shalt  }
0x50: {  	_ =	shalt  }
0x51: {  	_ =	shalt  }
0x52: {  	_ =	shalt  }
0x53: {  	_ =	shalt  }
0x54: {  	_ =	shalt  }
0x55: {  	_ =	shalt  }
0x56: {  	_ =	shalt  }
0x57: {  	_ =	shalt  }
0x58: {  	_ =	shalt  }
0x59: {  	_ =	shalt  }
0x5a: {  	_ =	shalt  }
0x5b: {  	_ =	shalt  }
0x5c: {  	_ =	shalt  }
0x5d: {  	_ =	shalt  }
0x5e: {  	_ =	shalt  }
0x5f: {  	_ =	shalt  }
0x60: {  	_ =	shalt  }
0x61: {  	_ =	shalt  }
0x62: {  	_ =	shalt  }
0x63: {  	_ =	shalt  }
0x64: {  	_ =	shalt  }
0x65: {  	_ =	shalt  }
0x66: {  	_ =	shalt  }
0x67: {  	_ =	shalt  }
0x68: {  	_ =	shalt  }
0x69: {  	_ =	shalt  }
0x6a: {  	_ =	shalt  }
0x6b: {  	_ =	shalt  }
0x6c: {  	_ =	shalt  }
0x6d: {  	_ =	shalt  }
0x6e: {  	_ =	shalt  }
0x6f: {  	_ =	shalt  }
0x70: {  	_ =	shalt  }
0x71: {  	_ =	shalt  }
0x72: {  	_ =	shalt  }
0x73: {  	_ =	shalt  }
0x74: {  	_ =	shalt  }
0x75: {  	_ =	shalt  }
0x76: {  	_ =	shalt  }
0x77: {  	_ =	shalt  }
0x78: {  	_ =	shalt  }
0x79: {  	_ =	shalt  }
0x7a: {  	_ =	shalt  }
0x7b: {  	_ =	shalt  }
0x7c: {  	_ =	shalt  }
0x7d: {  	_ =	shalt  }
0x7e: {  	_ =	shalt  }
0x7f: {  	_ =	shalt  }
0x80: {  	_ =	shalt  }
0x81: {  	_ =	shalt  }
0x82: {  	_ =	shalt  }
0x83: {  	_ =	shalt  }
0x84: {  	_ =	shalt  }
0x85: {  	_ =	shalt  }
0x86: {  	_ =	shalt  }
0x87: {  	_ =	shalt  }
.Lfunc_end0:
.L_simem_size_0:
called_computation_lowered:
.L_overlay_start_0:
0x88: {  	s2 =	sld [smem:$0x3FD9]  }
0x89: {  	s3 =	sld [smem:$0x3FFE];
	_ =	sdelay $0x1  }
0x8a: {  	s1 =	srdreg.scid  }
0x8b: {  	s0 =	sand.u32 $0x1, s1  }
0x8c: {  	s16 =	sshll.u32 s0, $0xA;
	s2 =	sadd.s32 s3, s2  }
0x8d: {  	s2 =	sadd.s32 s2, s16  }
0x8e: {  	[smem:$0x3FBC] =	sst s2  }
0x8f: {  	_ = 	snop  }
0x90: {  	(tm) =	ssettm $0x1  }
0x91: {  	s17 =	sld [smem:$0x3FFB];
	_ =	sdelay $0x3  }
0x92: {  	_ =	strace s17  }
0x93: {  	s2 =	sld [smem:$0x3FFC];
	_ =	sdelay $0x3  }
0x94: {  	_ =	strace s2  }
0x95: {  	s2 =	sld [smem:$0x3FFD];
	_ =	sdelay $0x3  }
0x96: {  	_ =	strace s2  }
0x97: {  	_ =	strace $0x8FFFFFFF  }
0x98: {  	s18 =	sld [smem:$0x3FDB];
	_ =	sdelay $0x1  }
0x99: {  	s19 =	simm.s32 $_scs_section_size  }
0x9a: {  	s4 =	simm.s32 $_size__tile_overlayer_lowered;
	s5 =	simm.s32 $_tile_overlayer_lowered  }
0x9b: {  	s22 =	simm.s32 $0x1BFF;
	s21 =	sshll.u32 s5, $0x1;
	s2 =	sadd.s32 s19, s18  }
0x9c: {  	s6 =	simm.s32 $0x0;
	s20 =	sshll.u32 s4, $0x1;
	s4 =	sadd.s32 s21, s2  }
0x9d: {  	[timem:s6], [sflag:s22] =	dma.local [hbm:s4], s20  }
0x9e: {  	_ =	swait.ge [sflag:s22], s20  }
0x9f: {  	s3 =	ssub.s32 $0x0, s20;
	[sflag:s22] =	ssyncset.done $0x0  }
0xa0: {  	[sflag:s22] =	ssyncadd.s32 s3;
	_ =	sdelay $0x1  }
0xa1: {  	s23 =	simm.s32 $0x1B8B  }
0xa2: {  	_ =	swait.ge [sflag:s23], $0x1  }
0xa3: {  	[sflag:s23] =	ssyncset.done $0x0  }
0xa4: {  	s25 =	simm.s32 $0x1B8E;
	s24 =	sld [smem:$0x3FFE];
	[sflag:s23] =	ssyncadd.s32 $0xFFFFFFFF  }
0xa5: {  	s26 =	simm.s32 $execute0_lowered;
	[smem:$0x3FD2] =	sst s25  }
0xa6: {  	s4 =	sshll.u32 s26, $0x1;
	_ =	strace $0x80000046;
	[dreg:$0x1] =	wrdreg $0xFFFFFFFF  }
0xa7: {  	s28 =	simm.s32 $_size_execute0_lowered;
	s2 =	sadd.s32 s2, s4;
	[dreg:$0x0] =	wrdreg $0x0  }
0xa8: {  	s4 =	sshll.u32 s28, $0x1;
	[dreg:$0x2] =	wrdreg s2  }
0xa9: {  	[dreg:$0x3] =	wrdreg s4  }
0xaa: {  	[dreg:$0x4] =	wrdreg $0xC0  }
0xab: {  	_ =	task [dreg:s6], $0x5FFFF  }
0xac: {  	[dreg:$0x1] =	wrdreg $0xFFFFFFFF  }
0xad: {  	[dreg:$0x0] =	wrdreg $0x60  }
0xae: {  	[dreg:$0x2] =	wrdreg s24  }
0xaf: {  	[dreg:$0x3] =	wrdreg $0x70000  }
0xb0: {  	[dreg:$0x4] =	wrdreg $0x9  }
0xb1: {  	_ =	task.clear_ibuf [dreg:s6], $0x5FFFF;
	_ =	strace $0x90000046  }
0xb2: {  	s29 =	simm.s32 $0x9;
	_ =	strace $0x80000048  }
0xb3: {  	_ =	swait.ge [sflag:s29], $0x1  }
0xb4: {  	[sflag:s29] =	ssyncadd.s32 $0xFFFFFFFF  }
0xb5: {  	_ =	strace $0x90000048  }
0xb6: {  	_ =	sfence  }
0xb7: {  	s30 =	sld [smem:$0x0];
	_ =	sdelay $0x2  }
0xb8: {  	s31 =	sshll.u32 s1, $0xD;
	s1 =	sshrl.u32 s1, $0x2  }
0xb9: {  	s3 =	sand.u32 $0x4000, s31;
	s1 =	sadd.s32 s1, s30  }
0xba: {  	s0 =	sor.u32 s3, s0;
	s1 =	sshll.u32 s1, $0x11  }
0xbb: {  	s0 =	sor.u32 s1, s0  }
0xbc: {  	s0 =	sadd.s32 $0x8F2B, s0  }
0xbd: {  	[sflag:s0] =	ssyncadd.remote.s32 $0x1  }
0xbe: {  	_ =	sfence.sel $0xFFFF  }
0xbf: {  	[dreg:$0x0] =	wrdreg $0xFFFFFFFF;
	(pc) =	sbr.abs _section_cstart, $3  }
0xc0: {  	[dreg:$0x1] =	wrdreg $0xFFFFFFFF  }
0xc1: {  	_ =	task.clear_ibuf [dreg:s6], $0x2FFFF;
	_ =	strace $0x9FFFFFFF  }
0xc2: {  	(tm) =	ssettm $0x7FFFFFFF  }
0xc3: {  	_ =	shalt  }
tec
execute0_lowered:
.L_overlay_start_1:
0x0: {  	(tag) =	ssettag $0x1  }
0x1: {  	s6 =	rddreg [dreg:$0x0]  }
0x2: {  	s0 =	srdreg.scid;
	s2 =	rddreg [dreg:$0x1]  }
0x3: {  	s3 =	simm.s32 $0x0;
	s5 =	sand.u32 $0x1, s0;
	s0 =	stileid.u32  }
0x4: {  	s13 =	simm.s32 $0x40;
	s14 =	simm.s32 $0x1;
	s7 =	smul.u32 $0x14000, s0  }
0x5: {  	s15 =	simm.s32 $0x0;
	[smem:$0x7FF] =	sst s3;
	s9 =	smul.u32 $0x140000, s5  }
0x6: {  	s1 =	sshll.u32 s5, $0x4;
	s11 =	smul.u32 $0x50000, s0;
	s5 =	ssub.s32 $0x2, s5  }
0x7: {  	s31 =	sshll.u32 s0, $0x6;
	s4 =	sor.u32 s0, s1;
	s1 =	rddreg [dreg:$0x2]  }
0x8: {  	_ =	strace $0x80000047;
	s30 =	sshrl.u32 s5, $0x1;
	s4 =	smul.u32 $0xA00, s4  }
0x9: {  	s10 =	sshrl.u32 s7, $0x3;
	s7 =	sadd.s32 s7, s9;
	s11 =	sshrl.u32 s11, $0x2  }
0xa: {  	s9 =	ssub.s32 s5, s30;
	s10 =	sadd.s32 s10, s6;
	s7 =	sshrl.u32 s7, $0x3  }
0xb: {  	s12 =	sadd.s32 s11, s2;
	s11 =	sor.u32 $0x1C02, s31;
	s8 =	sadd.s32 s4, s6  }
0xc: {  	s4 =	sadd.s32 $0x4B800, s6;
	s7 =	sadd.s32 s7, s6;
	s5 =	sadd.s32 $0x23800, s10  }
0xd: {  	s10 =	simm.s32 $0x2;
	s12 =	sshrl.u32 s12, $0x3;
	s6 =	sadd.s32 $0xE800, s8  }
0xe: {  	s7 =	sadd.s32 $0x4BC00, s7;
	s8 =	smax.u32 s9, $0x1;
	s9 =	simm.s32 $0x5000  }
.LBB2_1:
0xf: {  	[tilespmem:s9], [sflag:$0x2] =	stream.linear.gather [hbm4b:s4+s3], $0x2000, $0x38;
	[tilespmem:$0x1B000] =	vst v63  }
0x10: {  	_ =	swait.ge [sflag:s10], $0x2000  }
0x11: {  	[sflag:s10] =	ssyncset.done $0x0  }
0x12: {  	[sflag:s10] =	ssyncadd.s32 $0xFFFFE000  }
0x13: {  	[spmem:s12], [sflag:s11] =	dma.local [hbm:s5], $0x2800  }
0x14: {  	_ =	swait.ge [sflag:s10], $0x2800  }
0x15: {  	[sflag:s10] =	ssyncset.done $0x0  }
0x16: {  	[sflag:s10] =	ssyncadd.s32 $0xFFFFD800  }
0x17: {  	[bflag:$0x0] =	sbarrier.arrive $0xFFFF  }
0x18: {  	[tilespmem:s3], [sflag:$0x2] =	stream.linear.gather [hbm4b:s6+s3], $0x5000, $0x38;
	[tilespmem:$0x1B000] =	vst v63  }
0x19: {  	_ =	swait.ge [sflag:s10], $0x5000  }
0x1a: {  	[sflag:s10] =	ssyncset.done $0x0  }
0x1b: {  	s16 =	simm.s32 $0x0;
	[sflag:s10] =	ssyncadd.s32 $0xFFFFB000  }
.LBB2_2:
0x1c: {  	p0 =	sne.s32 s16, $0x13E00  }
.Ltmp0:
0x1d: {  	_ = 	snop;
	(pc) =	sbr.rel @p0 .LBB2_2-.Ltmp0, $3  }
0x1e: {  	_ =	sdelay $0x1  }
0x1f: {  	s17 =	sshra.s32 s16, $0x2;
	s16 =	sadd.s32 $0x200, s16  }
0x20: {  	[spmem:s2] =	stream.indirect.scatter.add.f32 [tilespmem:s9], [sflag:$0x1], $0x80, s17, s13, $0xb8;
	[tilespmem:$0x1B000] =	vst v63  }
0x21: {  	_ =	swait.ge [sflag:s14], $0x2000  }
0x22: {  	s16 =	simm.s32 $0x9F;
	[sflag:s14] =	ssyncset.done $0x0  }
.LBB2_4:
0x23: {  	p0 =	sne.s32 s16, $0x1;
	s16 =	sadd.s32 $0xFFFFFFFF, s16;
	[sflag:s14] =	ssyncadd.s32 $0xFFFFE000  }
.Ltmp1:
0x24: {  	(pc) =	sbr.rel @p0 .LBB2_4-.Ltmp1, $3  }
0x25: {  	_ =	sdelay $0x1  }
0x26: {  	_ =	swait.ge [sflag:s14], $0x2000  }
0x27: {  	[sflag:s14] =	ssyncset.done $0x0  }
0x28: {  	s15 =	sadd.s32 $0x1, s15  }
0x29: {  	[sflag:s14] =	ssyncadd.s32 $0xFFFFE000;
	p0 =	sne.s32 s15, s8  }
.Ltmp2:
0x2a: {  	[bflag:$0x0] =	sbarrier.arrive $0xFFFF;
	(pc) =	sbr.rel @p0 .LBB2_1-.Ltmp2, $4  }
0x2b: {  	[hbm:s7], [sflag:s11] =	dma.local [spmem:s12], $0x2800  }
0x2c: {  	_ =	swait.ge [sflag:s10], $0x2800  }
0x2d: {  	[sflag:s10] =	ssyncset.done $0x0  }
0x2e: {  	[sflag:s10] =	ssyncadd.s32 $0xFFFFD800  }
0x2f: {  	_ =	sfence.sel $0x180000  }
0x30: {  	[bflag:$0x0] =	sbarrier.arrive $0xFFFF  }
0x31: {  	p0 =	sne.s32 s0, $0x0;
	_ =	strace $0x90000047  }
0x32: {  	s0 =	sadd.s32 @!p0 $0x100000, s1;
	[bflag:$0x2] =	sbarrier.arrive $0xFFFF  }
0x33: {  	[sflag:s0] =	ssyncadd.tile.s32 @!p0 $0x1;
	_ =	shalt  }
.Lfunc_end2:
_tile_overlayer_lowered:
.L_overlay_start_2:
0x34: {  	(tag) =	ssettag $0x2  }
0x35: {  	s0 =	rddreg [dreg:$0x0];
	s2 =	stileid.u32  }
0x36: {  	s1 =	rddreg [dreg:$0x1];
	p0 =	sne.s32 s2, $0x0  }
0x37: {  	s3 =	rddreg [dreg:$0x2];
	[bflag:$0x3] =	sbarrier.arrive $0xFFFF;
	s2 =	simm.s32 @!p0 $0x1C02  }
0x38: {  	[timem:s3], [sflag:s2] =	dma.local @!p0 [hbm:s0], s1  }
0x39: {  	s0 =	simm.s32 @!p0 $0x2  }
0x3a: {  	_ =	swait.ge @!p0 [sflag:s0], s1  }
0x3b: {  	s1 =	ssub.s32 @!p0 $0x0, s1;
	[sflag:s0] =	ssyncset.done @!p0 $0x0  }
0x3c: {  	[sflag:s0] =	ssyncadd.s32 @!p0 s1  }
0x3d: {  	[bflag:$0x3] =	sbarrier.arrive $0xFFFF  }
0x3e: {  	_ =	shalt  }

// kernel: kernel.13.cloned.1.call-start
scs
__scs_entry_jumppad:
0x0: {  	(pc) =	sbr.rel $0x88, $3  }
0x1: {  	(tag) =	ssettag $0x0;
	lr =	simm.s32 $0x1  }
0x2: {  	[smem:$0x3F95] =	sst lr;
	_ =	strace $0xD0000000  }
0x3: {  	_ = 	snop  }
0x4: {  	_ = 	snop  }
0x5: {  	_ = 	snop  }
0x6: {  	_ = 	snop  }
0x7: {  	_ = 	snop  }
__scs_overlays_trampoline_lowered:
0x8: {  	[smem:$0x3FA4] =	sst s0  }
0x9: {  	[smem:$0x3FA5] =	sst s1  }
0xa: {  	[smem:$0x3FA6] =	sst s2  }
0xb: {  	[smem:$0x3FA7] =	sst s3  }
0xc: {  	[smem:$0x3FA8] =	sst s4  }
0xd: {  	[smem:$0x3FA9] =	sst s5  }
0xe: {  	[smem:$0x3FAA] =	sst s6  }
0xf: {  	[smem:$0x3FAB] =	sst s7  }
0x10: {  	[smem:$0x3FAC] =	sst s8  }
0x11: {  	[smem:$0x3FAD] =	sst s9;
	s0 =	simm.s32 @!p0 $0x0  }
0x12: {  	s1 =	sld [smem:$0x3F93];
	s0 =	simm.s32 @p0 $0x1  }
0x13: {  	[smem:$0x3FAE] =	sst s0;
	s0 =	simm.s32 @!p1 $0x0  }
0x14: {  	s2 =	sld [smem:$0x3F92];
	s0 =	simm.s32 @p1 $0x1  }
0x15: {  	[smem:$0x3FAF] =	sst s0;
	s0 =	simm.s32 @!p2 $0x0  }
0x16: {  	s3 =	sld [smem:$0x3FDB];
	s0 =	simm.s32 @p2 $0x1  }
0x17: {  	s4 =	simm.s32 $0x1BF5;
	[smem:$0x3FB1] =	sst s0  }
0x18: {  	s0 =	sld [smem:$0x3F94];
	_ =	swait.ge [sflag:s4], $0x0  }
0x19: {  	s7 =	sld [smem:$0x3F95]  }
0x1a: {  	s8 =	sadd.s32 $0xFFFFE003, lr  }
0x1b: {  	s9 =	sadd.s32 $0xFFFFFEF7, lr;
	s5 =	simm.s32 $0xFFFFFFFF;
	p2 =	slt.u32 s8, $0xFFFFF086  }
0x1c: {  	p1 =	slt.u32 s9, $0xF7A;
	s5 =	simm.s32 @!p2 $0x0  }
0x1d: {  	s5 =	simm.s32 @p1 $0x1;
	p0 =	seq.s32 s7, s2  }
0x1e: {  	s7 =	smul.u32 @!p0 $0xF7A, s2;
	p2 =	seq.s32 @!p0 s5, $0x0  }
0x1f: {  	s9 =	smul.u32 $0xF7A, s1;
	s8 =	simm.s32 @!p0 $0x1BF5;
	p2 =	por !p2, p0  }
0x20: {  	[sflag:s8] =	ssyncset.s32 @!p0 $0xFFFFF086;
	s6 =	sadd.s32 @!p0 s3, s7;
	s7 =	simm.s32 @!p0 $0x108  }
0x21: {  	s3 =	sadd.s32 s3, s9;
	s6 =	sadd.s32 @!p0 $0x88, s6;
	s7 =	simm.s32 @p2 $0x1082  }
0x22: {  	[simem:s7], [sflag:s8] =	dma.local @!p0 [hbm:s6], $0xF7A  }
0x23: {  	s9 =	sor.u32 $0xD0000000, s2;
	s6 =	simm.s32 $0x108;
	_ =	swait.ge @!p0 [sflag:s8], $0x0  }
0x24: {  	s3 =	sadd.s32 $0x88, s3;
	s6 =	simm.s32 @!p1 $0x1082;
	[sflag:s4] =	ssyncset.s32 $0xFFFFF086  }
0x25: {  	[simem:s6], [sflag:s4] =	dma.local [hbm:s3], $0xF7A  }
0x26: {  	[smem:$0x3F95] =	sst s1;
	(tag) =	ssettag s2;
	_ =	strace s9  }
0x27: {  	s1 =	sld [smem:$0x3FA5]  }
0x28: {  	s2 =	sld [smem:$0x3FA6]  }
0x29: {  	s4 =	sld [smem:$0x3FA8]  }
0x2a: {  	p0 =	seq.s32 s5, $0x0;
	s5 =	sld [smem:$0x3FA9]  }
0x2b: {  	s6 =	sld [smem:$0x3FAA]  }
0x2c: {  	s7 =	sld [smem:$0x3FAB]  }
0x2d: {  	s3 =	simm.s32 $0x108;
	s8 =	sld [smem:$0x3FAC]  }
0x2e: {  	s3 =	simm.s32 @!p0 $0x1082;
	s9 =	sld [smem:$0x3FAD]  }
0x2f: {  	lr =	sadd.s32 s0, s3;
	s0 =	sld [smem:$0x3FA4]  }
0x30: {  	s3 =	sld [smem:$0x3FA7]  }
0x31: {  	[smem:$0x3FB0] =	sst s10  }
0x32: {  	s10 =	sld [smem:$0x3FAE];
	_ =	sdelay $0x3  }
0x33: {  	p0 =	seq.s32 s10, $0x1;
	s10 =	sld [smem:$0x3FB0];
	_ =	sdelay $0x3  }
0x34: {  	[smem:$0x3FB0] =	sst s10  }
0x35: {  	s10 =	sld [smem:$0x3FAF];
	_ =	sdelay $0x3  }
0x36: {  	p1 =	seq.s32 s10, $0x1;
	s10 =	sld [smem:$0x3FB0];
	_ =	sdelay $0x3  }
0x37: {  	[smem:$0x3FB0] =	sst s10  }
0x38: {  	s10 =	sld [smem:$0x3FB1]  }
0x39: {  	_ = 	snop;
	(pc) =	sbr.ind lr, $3  }
0x3a: {  	_ = 	snop  }
0x3b: {  	_ = 	snop  }
0x3c: {  	p2 =	seq.s32 s10, $0x1;
	s10 =	sld [smem:$0x3FB0]  }
0x3d: {  	_ =	shalt  }
0x3e: {  	_ =	shalt  }
0x3f: {  	_ =	shalt  }
0x40: {  	_ =	shalt  }
0x41: {  	_ =	shalt  }
0x42: {  	_ =	shalt  }
0x43: {  	_ =	shalt  }
0x44: {  	_ =	shalt  }
0x45: {  	_ =	shalt  }
0x46: {  	_ =	shalt  }
0x47: {  	_ =	shalt  }
0x48: {  	_ =	shalt  }
0x49: {  	_ =	shalt  }
0x4a: {  	_ =	shalt  }
0x4b: {  	_ =	shalt  }
0x4c: {  	_ =	shalt  }
0x4d: {  	_ =	shalt  }
0x4e: {  	_ =	shalt  }
0x4f: {  	_ =	shalt  }
0x50: {  	_ =	shalt  }
0x51: {  	_ =	shalt  }
0x52: {  	_ =	shalt  }
0x53: {  	_ =	shalt  }
0x54: {  	_ =	shalt  }
0x55: {  	_ =	shalt  }
0x56: {  	_ =	shalt  }
0x57: {  	_ =	shalt  }
0x58: {  	_ =	shalt  }
0x59: {  	_ =	shalt  }
0x5a: {  	_ =	shalt  }
0x5b: {  	_ =	shalt  }
0x5c: {  	_ =	shalt  }
0x5d: {  	_ =	shalt  }
0x5e: {  	_ =	shalt  }
0x5f: {  	_ =	shalt  }
0x60: {  	_ =	shalt  }
0x61: {  	_ =	shalt  }
0x62: {  	_ =	shalt  }
0x63: {  	_ =	shalt  }
0x64: {  	_ =	shalt  }
0x65: {  	_ =	shalt  }
0x66: {  	_ =	shalt  }
0x67: {  	_ =	shalt  }
0x68: {  	_ =	shalt  }
0x69: {  	_ =	shalt  }
0x6a: {  	_ =	shalt  }
0x6b: {  	_ =	shalt  }
0x6c: {  	_ =	shalt  }
0x6d: {  	_ =	shalt  }
0x6e: {  	_ =	shalt  }
0x6f: {  	_ =	shalt  }
0x70: {  	_ =	shalt  }
0x71: {  	_ =	shalt  }
0x72: {  	_ =	shalt  }
0x73: {  	_ =	shalt  }
0x74: {  	_ =	shalt  }
0x75: {  	_ =	shalt  }
0x76: {  	_ =	shalt  }
0x77: {  	_ =	shalt  }
0x78: {  	_ =	shalt  }
0x79: {  	_ =	shalt  }
0x7a: {  	_ =	shalt  }
0x7b: {  	_ =	shalt  }
0x7c: {  	_ =	shalt  }
0x7d: {  	_ =	shalt  }
0x7e: {  	_ =	shalt  }
0x7f: {  	_ =	shalt  }
0x80: {  	_ =	shalt  }
0x81: {  	_ =	shalt  }
0x82: {  	_ =	shalt  }
0x83: {  	_ =	shalt  }
0x84: {  	_ =	shalt  }
0x85: {  	_ =	shalt  }
0x86: {  	_ =	shalt  }
0x87: {  	_ =	shalt  }
.Lfunc_end0:
.L_simem_size_0:
called_computation.1_lowered:
.L_overlay_start_0:
0x88: {  	s2 =	sld [smem:$0x3FD9]  }
0x89: {  	s3 =	sld [smem:$0x3FFE];
	_ =	sdelay $0x1  }
0x8a: {  	s1 =	srdreg.scid  }
0x8b: {  	s0 =	sand.u32 $0x1, s1  }
0x8c: {  	s17 =	sshll.u32 s0, $0xA;
	s2 =	sadd.s32 s3, s2  }
0x8d: {  	s2 =	sadd.s32 s2, s17  }
0x8e: {  	[smem:$0x3FBC] =	sst s2  }
0x8f: {  	_ = 	snop  }
0x90: {  	s2 =	sld [smem:$0x3FD0];
	(tm) =	ssettm $0x1  }
0x91: {  	s18 =	sld [smem:$0x3FFB];
	_ =	sdelay $0x3  }
0x92: {  	_ =	strace s18  }
0x93: {  	s3 =	sld [smem:$0x3FFC];
	_ =	sdelay $0x3  }
0x94: {  	_ =	strace s3  }
0x95: {  	s3 =	sld [smem:$0x3FFD];
	_ =	sdelay $0x3  }
0x96: {  	_ =	strace s3  }
0x97: {  	_ =	strace $0x8FFFFFFF  }
0x98: {  	s19 =	sld [smem:$0x3FDB];
	_ =	sdelay $0x1  }
0x99: {  	s4 =	simm.s32 $_scs_section_size  }
0x9a: {  	s5 =	simm.s32 $_size__tile_overlayer_lowered;
	s6 =	simm.s32 $_tile_overlayer_lowered  }
0x9b: {  	s22 =	simm.s32 $0x1BFF;
	s21 =	sshll.u32 s6, $0x1;
	s3 =	sadd.s32 s4, s19  }
0x9c: {  	s7 =	simm.s32 $0x0;
	s20 =	sshll.u32 s5, $0x1;
	s5 =	sadd.s32 s21, s3  }
0x9d: {  	[timem:s7], [sflag:s22] =	dma.local [hbm:s5], s20  }
0x9e: {  	_ =	swait.ge [sflag:s22], s20  }
0x9f: {  	s4 =	ssub.s32 $0x0, s20;
	[sflag:s22] =	ssyncset.done $0x0  }
0xa0: {  	[sflag:s22] =	ssyncadd.s32 s4;
	_ =	sdelay $0x1  }
0xa1: {  	s23 =	simm.s32 $0x1B8B  }
0xa2: {  	_ =	swait.ge [sflag:s23], $0x1  }
0xa3: {  	[sflag:s23] =	ssyncset.done $0x0  }
0xa4: {  	s25 =	simm.s32 $0x1B8E;
	s24 =	sld [smem:$0x3FFE];
	[sflag:s23] =	ssyncadd.s32 $0xFFFFFFFF  }
0xa5: {  	s26 =	simm.s32 $execute0_lowered;
	[smem:$0x3FD2] =	sst s25  }
0xa6: {  	s5 =	sshll.u32 s26, $0x1;
	_ =	strace $0x80000049;
	[dreg:$0x1] =	wrdreg $0xFFFFFFFF  }
0xa7: {  	s28 =	simm.s32 $_size_execute0_lowered;
	s3 =	sadd.s32 s3, s5;
	[dreg:$0x0] =	wrdreg $0x0  }
0xa8: {  	s5 =	sshll.u32 s28, $0x1;
	[dreg:$0x2] =	wrdreg s3  }
0xa9: {  	[dreg:$0x3] =	wrdreg s5  }
0xaa: {  	[dreg:$0x4] =	wrdreg $0xC0  }
0xab: {  	_ =	task [dreg:s7], $0x5FFFF  }
0xac: {  	[dreg:$0x1] =	wrdreg $0xFFFFFFFF  }
0xad: {  	[dreg:$0x0] =	wrdreg $0x60  }
0xae: {  	[dreg:$0x2] =	wrdreg s2  }
0xaf: {  	[dreg:$0x3] =	wrdreg s24  }
0xb0: {  	[dreg:$0x4] =	wrdreg $0xC0000  }
0xb1: {  	[dreg:$0x5] =	wrdreg $0x9  }
0xb2: {  	_ =	task.clear_ibuf [dreg:s7], $0x6FFFF;
	_ =	strace $0x90000049  }
0xb3: {  	s29 =	simm.s32 $0x9;
	_ =	strace $0x8000004B  }
0xb4: {  	_ =	swait.ge [sflag:s29], $0x1  }
0xb5: {  	[sflag:s29] =	ssyncadd.s32 $0xFFFFFFFF  }
0xb6: {  	_ =	strace $0x9000004B  }
0xb7: {  	_ =	sfence  }
0xb8: {  	s30 =	sld [smem:$0x0];
	_ =	sdelay $0x2  }
0xb9: {  	s31 =	sshll.u32 s1, $0xD;
	s1 =	sshrl.u32 s1, $0x2  }
0xba: {  	s3 =	sand.u32 $0x4000, s31;
	s1 =	sadd.s32 s1, s30  }
0xbb: {  	s0 =	sor.u32 s3, s0;
	s1 =	sshll.u32 s1, $0x11  }
0xbc: {  	s0 =	sor.u32 s1, s0  }
0xbd: {  	s0 =	sadd.s32 $0x8F2B, s0  }
0xbe: {  	[sflag:s0] =	ssyncadd.remote.s32 $0x1  }
0xbf: {  	_ =	sfence.sel $0xFFFF  }
0xc0: {  	[dreg:$0x0] =	wrdreg $0xFFFFFFFF;
	(pc) =	sbr.abs _section_cstart, $3  }
0xc1: {  	[dreg:$0x1] =	wrdreg $0xFFFFFFFF  }
0xc2: {  	_ =	task.clear_ibuf [dreg:s7], $0x2FFFF;
	_ =	strace $0x9FFFFFFF  }
0xc3: {  	(tm) =	ssettm $0x7FFFFFFF  }
tec
execute0_lowered:
.L_overlay_start_1:
0x0: {  	(tag) =	ssettag $0x1  }
0x1: {  	s6 =	rddreg [dreg:$0x0]  }
0x2: {  	s7 =	rddreg [dreg:$0x1]  }
0x3: {  	s2 =	rddreg [dreg:$0x2]  }
0x4: {  	s0 =	rddreg [dreg:$0x3];
	s4 =	srdreg.scid  }
0x5: {  	s3 =	simm.s32 $0x0;
	s1 =	stileid.u32;
	s5 =	sand.u32 $0x1, s4  }
0x6: {  	[smem:$0x7FF] =	sst s3;
	s28 =	sshll.u32 s1, $0x9;
	s8 =	sshll.u32 s1, $0xB  }
0x7: {  	s10 =	smul.u32 $0x14000, s1;
	s4 =	sadd.s32 $0xE800, s7;
	s31 =	sshll.u32 s1, $0x6  }
0x8: {  	p0 =	seq.s32 s5, $0x0;
	s9 =	sor.u32 $0x8000, s28;
	_ =	strace $0x8000004A  }
0x9: {  	s29 =	smul.u32 $0x140000, s5;
	s13 =	ssub.s32 $0x2, s5;
	s5 =	simm.s32 $0x100  }
0xa: {  	s9 =	smov.u32 @p0 s8;
	s12 =	sshrl.u32 s10, $0x3;
	s14 =	sshrl.u32 s13, $0x1  }
0xb: {  	s5 =	simm.s32 @!p0 $0x40;
	s30 =	sadd.s32 s10, s2;
	s11 =	sadd.s32 s9, s7  }
0xc: {  	s12 =	sadd.s32 s12, s7;
	s8 =	sadd.s32 s10, s29;
	s13 =	ssub.s32 s13, s14  }
0xd: {  	s6 =	sadd.s32 s6, s9;
	s14 =	sshrl.u32 s30, $0x3;
	s8 =	sshrl.u32 s8, $0x3  }
0xe: {  	s10 =	smax.u32 s13, $0x1;
	s13 =	sor.u32 $0x1C03, s31;
	s15 =	sadd.s32 s8, s7  }
0xf: {  	s7 =	sadd.s32 $0x4000, s11;
	s8 =	sadd.s32 $0x36800, s12;
	s11 =	simm.s32 $0x3  }
0x10: {  	s12 =	simm.s32 $0x4000;
	s9 =	sadd.s32 $0x5E800, s15;
	s15 =	simm.s32 $0x0  }
.LBB2_1:
0x11: {  	[tilespmem:s3], [sflag:$0x3] =	stream.linear.gather [hbm4b:s6+s3], $0x4000, $0x38;
	v63 =	vld [tilespmem:$0x0]  }
0x12: {  	_ =	swait.ge [sflag:s11], $0x4000  }
0x13: {  	[sflag:s11] =	ssyncset.done $0x0  }
0x14: {  	[sflag:s11] =	ssyncadd.s32 $0xFFFFC000  }
0x15: {  	[tilespmem:s12], [sflag:$0x3] =	stream.linear.gather [hbm4b:s7+s3], $0x4000, $0x38;
	v63 =	vld [tilespmem:$0x0]  }
0x16: {  	_ =	swait.ge [sflag:s11], $0x4000  }
0x17: {  	[sflag:s11] =	ssyncset.done $0x0  }
0x18: {  	p1 =	sle.u32 s5, $0x0;
	[sflag:s11] =	ssyncadd.s32 $0xFFFFC000  }
0x19: {  	[spmem:s14], [sflag:s13] =	dma.local [hbm:s8], $0x2800  }
0x1a: {  	p0 =	sle.u32 s5, $0xFFFFFFFF;
	s16 =	sand.u32 @!p1 $0x1, s3;
	_ =	swait.ge [sflag:s11], $0x2800  }
0x1b: {  	s18 =	sxor.u32 @!p0 $0xFFFFFFFF, s3;
	s19 =	simm.s32 @!p1 $0x40;
	[sflag:s11] =	ssyncset.done $0x0  }
0x1c: {  	s17 =	sshll.u32 @!p1 s16, $0xD;
	s16 =	sadd.s32 @!p1 $0x1, s16;
	[sflag:s11] =	ssyncadd.s32 $0xFFFFD800  }
0x1d: {  	s18 =	sand.u32 @!p0 $0x1, s18;
	s17 =	sor.u32 @!p1 $0x8000, s17;
	[bflag:$0x0] =	sbarrier.arrive $0xFFFF  }
0x1e: {  	[tilespmem:s17], [sflag:s16] =	stream.indirect.gather @!p1 [hbm4b:s4+s19], $0x80, s3, s19, $0xb8;
	v63 =	vld [tilespmem:$0x0]  }
0x1f: {  	s17 =	sadd.s32 @!p0 $0x1, s18  }
0x20: {  	s16 =	simm.s32 $0x3FC0;
	p1 =	por $0x1, $0x1;
	_ =	swait.ge @!p0 [sflag:s17], $0x2000  }
.Ltmp0:
0x21: {  	s18 =	sshll.u32 @!p0 s18, $0xD;
	[sflag:s17] =	ssyncset.done @!p0 $0x0;
	(pc) =	sbr.rel @!p1 .LBB2_3-.Ltmp0, $4  }
0x22: {  	s19 =	simm.s32 @!p0 $0x40;
	s18 =	sor.u32 @!p0 $0x8000, s18;
	[sflag:s17] =	ssyncadd.s32 @!p0 $0xFFFFE000  }
0x23: {  	[spmem:s2] =	stream.indirect.scatter.add.f32 @!p0 [tilespmem:s18], [sflag:$0x3], $0x80, s16, s19, $0xb8;
	v63 =	vld [tilespmem:$0x0]  }
0x24: {  	s19 =	simm.s32 @!p0 $0x3  }
0x25: {  	s17 =	simm.s32 $0x0;
	s18 =	simm.s32 $0x1;
	_ =	swait.ge @!p0 [sflag:s19], $0x2000  }
.LBB2_2:
0x26: {  	[sflag:s19] =	ssyncset.done @!p0 $0x0  }
0x27: {  	s17 =	sadd.s32 $0x40, s17;
	s16 =	sadd.s32 $0x40, s16;
	s20 =	smov.u32 s18  }
0x28: {  	p1 =	sge.u32 s18, s5;
	s18 =	sadd.s32 $0xFFFFFFFF, s18;
	[sflag:s19] =	ssyncadd.s32 @!p0 $0xFFFFE000  }
0x29: {  	s19 =	sand.u32 @!p1 $0x1, s20;
	p0 =	sge.u32 s18, s5;
	s18 =	sadd.s32 $0x2, s18  }
0x2a: {  	s21 =	sshll.u32 @!p1 s19, $0xD;
	s19 =	sadd.s32 @!p1 $0x1, s19;
	s20 =	sxor.u32 @!p0 $0xFFFFFFFF, s20  }
0x2b: {  	s22 =	simm.s32 @!p1 $0x40;
	s21 =	sor.u32 @!p1 $0x8000, s21;
	s20 =	sand.u32 @!p0 $0x1, s20  }
0x2c: {  	[tilespmem:s21], [sflag:s19] =	stream.indirect.gather @!p1 [hbm4b:s4+s22], $0x80, s17, s22, $0xb8;
	v63 =	vld [tilespmem:$0x0]  }
0x2d: {  	s19 =	sshll.u32 @!p0 s20, $0xD;
	s20 =	sadd.s32 @!p0 $0x1, s20;
	p1 =	sne.s32 s18, $0x101  }
.Ltmp1:
0x2e: {  	s21 =	sor.u32 @!p0 $0x8000, s19;
	_ =	swait.ge @!p0 [sflag:s20], $0x2000;
	(pc) =	sbr.rel @p1 .LBB2_2-.Ltmp1, $4  }
0x2f: {  	s22 =	simm.s32 @!p0 $0x40;
	[sflag:s20] =	ssyncset.done @!p0 $0x0  }
0x30: {  	s19 =	simm.s32 @!p0 $0x3;
	[sflag:s20] =	ssyncadd.s32 @!p0 $0xFFFFE000  }
0x31: {  	[spmem:s2] =	stream.indirect.scatter.add.f32 @!p0 [tilespmem:s21], [sflag:$0x3], $0x80, s16, s22, $0xb8;
	v63 =	vld [tilespmem:$0x0]  }
0x32: {  	_ =	swait.ge @!p0 [sflag:s19], $0x2000  }
.LBB2_3:
0x33: {  	[sflag:s19] =	ssyncset.done @!p0 $0x0;
	s15 =	sadd.s32 $0x1, s15  }
0x34: {  	[sflag:s19] =	ssyncadd.s32 @!p0 $0xFFFFE000;
	p0 =	sne.s32 s15, s10  }
.Ltmp2:
0x35: {  	[bflag:$0x0] =	sbarrier.arrive $0xFFFF;
	(pc) =	sbr.rel @p0 .LBB2_1-.Ltmp2, $4  }
0x36: {  	[hbm:s9], [sflag:s13] =	dma.local [spmem:s14], $0x2800  }
0x37: {  	_ =	swait.ge [sflag:s11], $0x2800  }
0x38: {  	[sflag:s11] =	ssyncset.done $0x0  }
0x39: {  	[sflag:s11] =	ssyncadd.s32 $0xFFFFD800  }
0x3a: {  	_ =	sfence.sel $0x180000  }
0x3b: {  	[bflag:$0x0] =	sbarrier.arrive $0xFFFF  }
0x3c: {  	p0 =	sne.s32 s1, $0x0;
	_ =	strace $0x9000004A  }
0x3d: {  	s0 =	sadd.s32 @!p0 $0x100000, s0;
	[bflag:$0x2] =	sbarrier.arrive $0xFFFF  }
0x3e: {  	[sflag:s0] =	ssyncadd.tile.s32 @!p0 $0x1;
	_ =	shalt  }
.Lfunc_end2:
_tile_overlayer_lowered:
.L_overlay_start_2:
0x3f: {  	(tag) =	ssettag $0x2  }
0x40: {  	s0 =	rddreg [dreg:$0x0];
	s2 =	stileid.u32  }
0x41: {  	s1 =	rddreg [dreg:$0x1];
	p0 =	sne.s32 s2, $0x0  }
0x42: {  	s3 =	rddreg [dreg:$0x2];
	[bflag:$0x3] =	sbarrier.arrive $0xFFFF;
	s2 =	simm.s32 @!p0 $0x1C03  }
0x43: {  	[timem:s3], [sflag:s2] =	dma.local @!p0 [hbm:s0], s1  }
0x44: {  	s0 =	simm.s32 @!p0 $0x3  }
0x45: {  	_ =	swait.ge @!p0 [sflag:s0], s1  }
0x46: {  	s1 =	ssub.s32 @!p0 $0x0, s1;
	[sflag:s0] =	ssyncset.done @!p0 $0x0  }
0x47: {  	[sflag:s0] =	ssyncadd.s32 @!p0 s1  }
0x48: {  	[bflag:$0x3] =	sbarrier.arrive $0xFFFF  }
0x49: {  	_ =	shalt  }

// kernel: kernel.16.cloned.1.call-start
scs
__scs_entry_jumppad:
0x0: {  	(pc) =	sbr.rel $0x88, $3  }
0x1: {  	(tag) =	ssettag $0x0;
	lr =	simm.s32 $0x1  }
0x2: {  	[smem:$0x3F95] =	sst lr;
	_ =	strace $0xD0000000  }
0x3: {  	_ = 	snop  }
0x4: {  	_ = 	snop  }
0x5: {  	_ = 	snop  }
0x6: {  	_ = 	snop  }
0x7: {  	_ = 	snop  }
__scs_overlays_trampoline_lowered:
0x8: {  	[smem:$0x3FA4] =	sst s0  }
0x9: {  	[smem:$0x3FA5] =	sst s1  }
0xa: {  	[smem:$0x3FA6] =	sst s2  }
0xb: {  	[smem:$0x3FA7] =	sst s3  }
0xc: {  	[smem:$0x3FA8] =	sst s4  }
0xd: {  	[smem:$0x3FA9] =	sst s5  }
0xe: {  	[smem:$0x3FAA] =	sst s6  }
0xf: {  	[smem:$0x3FAB] =	sst s7  }
0x10: {  	[smem:$0x3FAC] =	sst s8  }
0x11: {  	[smem:$0x3FAD] =	sst s9;
	s0 =	simm.s32 @!p0 $0x0  }
0x12: {  	s1 =	sld [smem:$0x3F93];
	s0 =	simm.s32 @p0 $0x1  }
0x13: {  	[smem:$0x3FAE] =	sst s0;
	s0 =	simm.s32 @!p1 $0x0  }
0x14: {  	s2 =	sld [smem:$0x3F92];
	s0 =	simm.s32 @p1 $0x1  }
0x15: {  	[smem:$0x3FAF] =	sst s0;
	s0 =	simm.s32 @!p2 $0x0  }
0x16: {  	s3 =	sld [smem:$0x3FDB];
	s0 =	simm.s32 @p2 $0x1  }
0x17: {  	s4 =	simm.s32 $0x1BF5;
	[smem:$0x3FB1] =	sst s0  }
0x18: {  	s0 =	sld [smem:$0x3F94];
	_ =	swait.ge [sflag:s4], $0x0  }
0x19: {  	s7 =	sld [smem:$0x3F95]  }
0x1a: {  	s8 =	sadd.s32 $0xFFFFE003, lr  }
0x1b: {  	s9 =	sadd.s32 $0xFFFFFEF7, lr;
	s5 =	simm.s32 $0xFFFFFFFF;
	p2 =	slt.u32 s8, $0xFFFFF086  }
0x1c: {  	p1 =	slt.u32 s9, $0xF7A;
	s5 =	simm.s32 @!p2 $0x0  }
0x1d: {  	s5 =	simm.s32 @p1 $0x1;
	p0 =	seq.s32 s7, s2  }
0x1e: {  	s7 =	smul.u32 @!p0 $0xF7A, s2;
	p2 =	seq.s32 @!p0 s5, $0x0  }
0x1f: {  	s9 =	smul.u32 $0xF7A, s1;
	s8 =	simm.s32 @!p0 $0x1BF5;
	p2 =	por !p2, p0  }
0x20: {  	[sflag:s8] =	ssyncset.s32 @!p0 $0xFFFFF086;
	s6 =	sadd.s32 @!p0 s3, s7;
	s7 =	simm.s32 @!p0 $0x108  }
0x21: {  	s3 =	sadd.s32 s3, s9;
	s6 =	sadd.s32 @!p0 $0x88, s6;
	s7 =	simm.s32 @p2 $0x1082  }
0x22: {  	[simem:s7], [sflag:s8] =	dma.local @!p0 [hbm:s6], $0xF7A  }
0x23: {  	s9 =	sor.u32 $0xD0000000, s2;
	s6 =	simm.s32 $0x108;
	_ =	swait.ge @!p0 [sflag:s8], $0x0  }
0x24: {  	s3 =	sadd.s32 $0x88, s3;
	s6 =	simm.s32 @!p1 $0x1082;
	[sflag:s4] =	ssyncset.s32 $0xFFFFF086  }
0x25: {  	[simem:s6], [sflag:s4] =	dma.local [hbm:s3], $0xF7A  }
0x26: {  	[smem:$0x3F95] =	sst s1;
	(tag) =	ssettag s2;
	_ =	strace s9  }
0x27: {  	s1 =	sld [smem:$0x3FA5]  }
0x28: {  	s2 =	sld [smem:$0x3FA6]  }
0x29: {  	s4 =	sld [smem:$0x3FA8]  }
0x2a: {  	p0 =	seq.s32 s5, $0x0;
	s5 =	sld [smem:$0x3FA9]  }
0x2b: {  	s6 =	sld [smem:$0x3FAA]  }
0x2c: {  	s7 =	sld [smem:$0x3FAB]  }
0x2d: {  	s3 =	simm.s32 $0x108;
	s8 =	sld [smem:$0x3FAC]  }
0x2e: {  	s3 =	simm.s32 @!p0 $0x1082;
	s9 =	sld [smem:$0x3FAD]  }
0x2f: {  	lr =	sadd.s32 s0, s3;
	s0 =	sld [smem:$0x3FA4]  }
0x30: {  	s3 =	sld [smem:$0x3FA7]  }
0x31: {  	[smem:$0x3FB0] =	sst s10  }
0x32: {  	s10 =	sld [smem:$0x3FAE];
	_ =	sdelay $0x3  }
0x33: {  	p0 =	seq.s32 s10, $0x1;
	s10 =	sld [smem:$0x3FB0];
	_ =	sdelay $0x3  }
0x34: {  	[smem:$0x3FB0] =	sst s10  }
0x35: {  	s10 =	sld [smem:$0x3FAF];
	_ =	sdelay $0x3  }
0x36: {  	p1 =	seq.s32 s10, $0x1;
	s10 =	sld [smem:$0x3FB0];
	_ =	sdelay $0x3  }
0x37: {  	[smem:$0x3FB0] =	sst s10  }
0x38: {  	s10 =	sld [smem:$0x3FB1]  }
0x39: {  	_ = 	snop;
	(pc) =	sbr.ind lr, $3  }
0x3a: {  	_ = 	snop  }
0x3b: {  	_ = 	snop  }
0x3c: {  	p2 =	seq.s32 s10, $0x1;
	s10 =	sld [smem:$0x3FB0]  }
0x3d: {  	_ =	shalt  }
0x3e: {  	_ =	shalt  }
0x3f: {  	_ =	shalt  }
0x40: {  	_ =	shalt  }
0x41: {  	_ =	shalt  }
0x42: {  	_ =	shalt  }
0x43: {  	_ =	shalt  }
0x44: {  	_ =	shalt  }
0x45: {  	_ =	shalt  }
0x46: {  	_ =	shalt  }
0x47: {  	_ =	shalt  }
0x48: {  	_ =	shalt  }
0x49: {  	_ =	shalt  }
0x4a: {  	_ =	shalt  }
0x4b: {  	_ =	shalt  }
0x4c: {  	_ =	shalt  }
0x4d: {  	_ =	shalt  }
0x4e: {  	_ =	shalt  }
0x4f: {  	_ =	shalt  }
0x50: {  	_ =	shalt  }
0x51: {  	_ =	shalt  }
0x52: {  	_ =	shalt  }
0x53: {  	_ =	shalt  }
0x54: {  	_ =	shalt  }
0x55: {  	_ =	shalt  }
0x56: {  	_ =	shalt  }
0x57: {  	_ =	shalt  }
0x58: {  	_ =	shalt  }
0x59: {  	_ =	shalt  }
0x5a: {  	_ =	shalt  }
0x5b: {  	_ =	shalt  }
0x5c: {  	_ =	shalt  }
0x5d: {  	_ =	shalt  }
0x5e: {  	_ =	shalt  }
0x5f: {  	_ =	shalt  }
0x60: {  	_ =	shalt  }
0x61: {  	_ =	shalt  }
0x62: {  	_ =	shalt  }
0x63: {  	_ =	shalt  }
0x64: {  	_ =	shalt  }
0x65: {  	_ =	shalt  }
0x66: {  	_ =	shalt  }
0x67: {  	_ =	shalt  }
0x68: {  	_ =	shalt  }
0x69: {  	_ =	shalt  }
0x6a: {  	_ =	shalt  }
0x6b: {  	_ =	shalt  }
0x6c: {  	_ =	shalt  }
0x6d: {  	_ =	shalt  }
0x6e: {  	_ =	shalt  }
0x6f: {  	_ =	shalt  }
0x70: {  	_ =	shalt  }
0x71: {  	_ =	shalt  }
0x72: {  	_ =	shalt  }
0x73: {  	_ =	shalt  }
0x74: {  	_ =	shalt  }
0x75: {  	_ =	shalt  }
0x76: {  	_ =	shalt  }
0x77: {  	_ =	shalt  }
0x78: {  	_ =	shalt  }
0x79: {  	_ =	shalt  }
0x7a: {  	_ =	shalt  }
0x7b: {  	_ =	shalt  }
0x7c: {  	_ =	shalt  }
0x7d: {  	_ =	shalt  }
0x7e: {  	_ =	shalt  }
0x7f: {  	_ =	shalt  }
0x80: {  	_ =	shalt  }
0x81: {  	_ =	shalt  }
0x82: {  	_ =	shalt  }
0x83: {  	_ =	shalt  }
0x84: {  	_ =	shalt  }
0x85: {  	_ =	shalt  }
0x86: {  	_ =	shalt  }
0x87: {  	_ =	shalt  }
.Lfunc_end0:
.L_simem_size_0:
called_computation.2_lowered:
.L_overlay_start_0:
0x88: {  	s2 =	sld [smem:$0x3FD9]  }
0x89: {  	s3 =	sld [smem:$0x3FFE];
	_ =	sdelay $0x1  }
0x8a: {  	s1 =	srdreg.scid  }
0x8b: {  	s0 =	sand.u32 $0x1, s1  }
0x8c: {  	s17 =	sshll.u32 s0, $0xA;
	s2 =	sadd.s32 s3, s2  }
0x8d: {  	s2 =	sadd.s32 s2, s17  }
0x8e: {  	[smem:$0x3FBC] =	sst s2  }
0x8f: {  	_ = 	snop  }
0x90: {  	s2 =	sld [smem:$0x3FD0];
	(tm) =	ssettm $0x1  }
0x91: {  	s18 =	sld [smem:$0x3FFB];
	_ =	sdelay $0x3  }
0x92: {  	_ =	strace s18  }
0x93: {  	s3 =	sld [smem:$0x3FFC];
	_ =	sdelay $0x3  }
0x94: {  	_ =	strace s3  }
0x95: {  	s3 =	sld [smem:$0x3FFD];
	_ =	sdelay $0x3  }
0x96: {  	_ =	strace s3  }
0x97: {  	_ =	strace $0x8FFFFFFF  }
0x98: {  	s19 =	sld [smem:$0x3FDB];
	_ =	sdelay $0x1  }
0x99: {  	s4 =	simm.s32 $_scs_section_size  }
0x9a: {  	s5 =	simm.s32 $_size__tile_overlayer_lowered;
	s6 =	simm.s32 $_tile_overlayer_lowered  }
0x9b: {  	s22 =	simm.s32 $0x1BFF;
	s21 =	sshll.u32 s6, $0x1;
	s3 =	sadd.s32 s4, s19  }
0x9c: {  	s7 =	simm.s32 $0x0;
	s20 =	sshll.u32 s5, $0x1;
	s5 =	sadd.s32 s21, s3  }
0x9d: {  	[timem:s7], [sflag:s22] =	dma.local [hbm:s5], s20  }
0x9e: {  	_ =	swait.ge [sflag:s22], s20  }
0x9f: {  	s4 =	ssub.s32 $0x0, s20;
	[sflag:s22] =	ssyncset.done $0x0  }
0xa0: {  	[sflag:s22] =	ssyncadd.s32 s4;
	_ =	sdelay $0x1  }
0xa1: {  	s23 =	simm.s32 $0x1B8B  }
0xa2: {  	_ =	swait.ge [sflag:s23], $0x1  }
0xa3: {  	[sflag:s23] =	ssyncset.done $0x0  }
0xa4: {  	s25 =	simm.s32 $0x1B8E;
	s24 =	sld [smem:$0x3FFE];
	[sflag:s23] =	ssyncadd.s32 $0xFFFFFFFF  }
0xa5: {  	s26 =	simm.s32 $execute0_lowered;
	[smem:$0x3FD2] =	sst s25  }
0xa6: {  	s5 =	sshll.u32 s26, $0x1;
	_ =	strace $0x8000004C;
	[dreg:$0x1] =	wrdreg $0xFFFFFFFF  }
0xa7: {  	s28 =	simm.s32 $_size_execute0_lowered;
	s3 =	sadd.s32 s3, s5;
	[dreg:$0x0] =	wrdreg $0x0  }
0xa8: {  	s5 =	sshll.u32 s28, $0x1;
	[dreg:$0x2] =	wrdreg s3  }
0xa9: {  	[dreg:$0x3] =	wrdreg s5  }
0xaa: {  	[dreg:$0x4] =	wrdreg $0xC0  }
0xab: {  	_ =	task [dreg:s7], $0x5FFFF  }
0xac: {  	[dreg:$0x1] =	wrdreg $0xFFFFFFFF  }
0xad: {  	[dreg:$0x0] =	wrdreg $0x60  }
0xae: {  	[dreg:$0x2] =	wrdreg s2  }
0xaf: {  	[dreg:$0x3] =	wrdreg s24  }
0xb0: {  	[dreg:$0x4] =	wrdreg $0xC0000  }
0xb1: {  	[dreg:$0x5] =	wrdreg $0x9  }
0xb2: {  	_ =	task.clear_ibuf [dreg:s7], $0x6FFFF;
	_ =	strace $0x9000004C  }
0xb3: {  	s29 =	simm.s32 $0x9;
	_ =	strace $0x8000004E  }
0xb4: {  	_ =	swait.ge [sflag:s29], $0x1  }
0xb5: {  	[sflag:s29] =	ssyncadd.s32 $0xFFFFFFFF  }
0xb6: {  	_ =	strace $0x9000004E  }
0xb7: {  	_ =	sfence  }
0xb8: {  	s30 =	sld [smem:$0x0];
	_ =	sdelay $0x2  }
0xb9: {  	s31 =	sshll.u32 s1, $0xD;
	s1 =	sshrl.u32 s1, $0x2  }
0xba: {  	s3 =	sand.u32 $0x4000, s31;
	s1 =	sadd.s32 s1, s30  }
0xbb: {  	s0 =	sor.u32 s3, s0;
	s1 =	sshll.u32 s1, $0x11  }
0xbc: {  	s0 =	sor.u32 s1, s0  }
0xbd: {  	s0 =	sadd.s32 $0x8F2B, s0  }
0xbe: {  	[sflag:s0] =	ssyncadd.remote.s32 $0x1  }
0xbf: {  	_ =	sfence.sel $0xFFFF  }
0xc0: {  	[dreg:$0x0] =	wrdreg $0xFFFFFFFF;
	(pc) =	sbr.abs _section_cstart, $3  }
0xc1: {  	[dreg:$0x1] =	wrdreg $0xFFFFFFFF  }
0xc2: {  	_ =	task.clear_ibuf [dreg:s7], $0x2FFFF;
	_ =	strace $0x9FFFFFFF  }
0xc3: {  	(tm) =	ssettm $0x7FFFFFFF  }
tec
execute0_lowered:
.L_overlay_start_1:
0x0: {  	(tag) =	ssettag $0x1  }
0x1: {  	s6 =	rddreg [dreg:$0x0]  }
0x2: {  	s7 =	rddreg [dreg:$0x1]  }
0x3: {  	s2 =	rddreg [dreg:$0x2]  }
0x4: {  	s0 =	rddreg [dreg:$0x3];
	s4 =	srdreg.scid  }
0x5: {  	s3 =	simm.s32 $0x0;
	s1 =	stileid.u32;
	s5 =	sand.u32 $0x1, s4  }
0x6: {  	[smem:$0x7FF] =	sst s3;
	s28 =	sshll.u32 s1, $0x9;
	s8 =	sshll.u32 s1, $0xB  }
0x7: {  	s10 =	smul.u32 $0x14000, s1;
	s4 =	sadd.s32 $0xE800, s7;
	s31 =	sshll.u32 s1, $0x6  }
0x8: {  	p0 =	seq.s32 s5, $0x0;
	s9 =	sor.u32 $0x8000, s28;
	_ =	strace $0x8000004D  }
0x9: {  	s29 =	smul.u32 $0x140000, s5;
	s13 =	ssub.s32 $0x2, s5;
	s5 =	simm.s32 $0x100  }
0xa: {  	s9 =	smov.u32 @p0 s8;
	s12 =	sshrl.u32 s10, $0x3;
	s14 =	sshrl.u32 s13, $0x1  }
0xb: {  	s5 =	simm.s32 @!p0 $0x40;
	s30 =	sadd.s32 s10, s2;
	s11 =	sadd.s32 s9, s7  }
0xc: {  	s12 =	sadd.s32 s12, s7;
	s8 =	sadd.s32 s10, s29;
	s13 =	ssub.s32 s13, s14  }
0xd: {  	s6 =	sadd.s32 s6, s9;
	s14 =	sshrl.u32 s30, $0x3;
	s8 =	sshrl.u32 s8, $0x3  }
0xe: {  	s10 =	smax.u32 s13, $0x1;
	s13 =	sor.u32 $0x1C03, s31;
	s15 =	sadd.s32 s8, s7  }
0xf: {  	s7 =	sadd.s32 $0x4000, s11;
	s8 =	sadd.s32 $0x36800, s12;
	s11 =	simm.s32 $0x3  }
0x10: {  	s12 =	simm.s32 $0x4000;
	s9 =	sadd.s32 $0x5E800, s15;
	s15 =	simm.s32 $0x0  }
.LBB2_1:
0x11: {  	[tilespmem:s3], [sflag:$0x3] =	stream.linear.gather [hbm4b:s6+s3], $0x4000, $0x38;
	v63 =	vld [tilespmem:$0x0]  }
0x12: {  	_ =	swait.ge [sflag:s11], $0x4000  }
0x13: {  	[sflag:s11] =	ssyncset.done $0x0  }
0x14: {  	[sflag:s11] =	ssyncadd.s32 $0xFFFFC000  }
0x15: {  	[tilespmem:s12], [sflag:$0x3] =	stream.linear.gather [hbm4b:s7+s3], $0x4000, $0x38;
	v63 =	vld [tilespmem:$0x0]  }
0x16: {  	_ =	swait.ge [sflag:s11], $0x4000  }
0x17: {  	[sflag:s11] =	ssyncset.done $0x0  }
0x18: {  	p1 =	sle.u32 s5, $0x0;
	[sflag:s11] =	ssyncadd.s32 $0xFFFFC000  }
0x19: {  	[spmem:s14], [sflag:s13] =	dma.local [hbm:s8], $0x2800  }
0x1a: {  	p0 =	sle.u32 s5, $0xFFFFFFFF;
	s16 =	sand.u32 @!p1 $0x1, s3;
	_ =	swait.ge [sflag:s11], $0x2800  }
0x1b: {  	s18 =	sxor.u32 @!p0 $0xFFFFFFFF, s3;
	s19 =	simm.s32 @!p1 $0x40;
	[sflag:s11] =	ssyncset.done $0x0  }
0x1c: {  	s17 =	sshll.u32 @!p1 s16, $0xD;
	s16 =	sadd.s32 @!p1 $0x1, s16;
	[sflag:s11] =	ssyncadd.s32 $0xFFFFD800  }
0x1d: {  	s18 =	sand.u32 @!p0 $0x1, s18;
	s17 =	sor.u32 @!p1 $0x8000, s17;
	[bflag:$0x0] =	sbarrier.arrive $0xFFFF  }
0x1e: {  	[tilespmem:s17], [sflag:s16] =	stream.indirect.gather @!p1 [hbm4b:s4+s19], $0x80, s3, s19, $0xb8;
	v63 =	vld [tilespmem:$0x0]  }
0x1f: {  	s17 =	sadd.s32 @!p0 $0x1, s18  }
0x20: {  	s16 =	simm.s32 $0x3FC0;
	p1 =	por $0x1, $0x1;
	_ =	swait.ge @!p0 [sflag:s17], $0x2000  }
.Ltmp0:
0x21: {  	s18 =	sshll.u32 @!p0 s18, $0xD;
	[sflag:s17] =	ssyncset.done @!p0 $0x0;
	(pc) =	sbr.rel @!p1 .LBB2_3-.Ltmp0, $4  }
0x22: {  	s19 =	simm.s32 @!p0 $0x40;
	s18 =	sor.u32 @!p0 $0x8000, s18;
	[sflag:s17] =	ssyncadd.s32 @!p0 $0xFFFFE000  }
0x23: {  	[spmem:s2] =	stream.indirect.scatter.add.f32 @!p0 [tilespmem:s18], [sflag:$0x3], $0x80, s16, s19, $0xb8;
	v63 =	vld [tilespmem:$0x0]  }
0x24: {  	s19 =	simm.s32 @!p0 $0x3  }
0x25: {  	s17 =	simm.s32 $0x0;
	s18 =	simm.s32 $0x1;
	_ =	swait.ge @!p0 [sflag:s19], $0x2000  }
.LBB2_2:
0x26: {  	[sflag:s19] =	ssyncset.done @!p0 $0x0  }
0x27: {  	s17 =	sadd.s32 $0x40, s17;
	s16 =	sadd.s32 $0x40, s16;
	s20 =	smov.u32 s18  }
0x28: {  	p1 =	sge.u32 s18, s5;
	s18 =	sadd.s32 $0xFFFFFFFF, s18;
	[sflag:s19] =	ssyncadd.s32 @!p0 $0xFFFFE000  }
0x29: {  	s19 =	sand.u32 @!p1 $0x1, s20;
	p0 =	sge.u32 s18, s5;
	s18 =	sadd.s32 $0x2, s18  }
0x2a: {  	s21 =	sshll.u32 @!p1 s19, $0xD;
	s19 =	sadd.s32 @!p1 $0x1, s19;
	s20 =	sxor.u32 @!p0 $0xFFFFFFFF, s20  }
0x2b: {  	s22 =	simm.s32 @!p1 $0x40;
	s21 =	sor.u32 @!p1 $0x8000, s21;
	s20 =	sand.u32 @!p0 $0x1, s20  }
0x2c: {  	[tilespmem:s21], [sflag:s19] =	stream.indirect.gather @!p1 [hbm4b:s4+s22], $0x80, s17, s22, $0xb8;
	v63 =	vld [tilespmem:$0x0]  }
0x2d: {  	s19 =	sshll.u32 @!p0 s20, $0xD;
	s20 =	sadd.s32 @!p0 $0x1, s20;
	p1 =	sne.s32 s18, $0x101  }
.Ltmp1:
0x2e: {  	s21 =	sor.u32 @!p0 $0x8000, s19;
	_ =	swait.ge @!p0 [sflag:s20], $0x2000;
	(pc) =	sbr.rel @p1 .LBB2_2-.Ltmp1, $4  }
0x2f: {  	s22 =	simm.s32 @!p0 $0x40;
	[sflag:s20] =	ssyncset.done @!p0 $0x0  }
0x30: {  	s19 =	simm.s32 @!p0 $0x3;
	[sflag:s20] =	ssyncadd.s32 @!p0 $0xFFFFE000  }
0x31: {  	[spmem:s2] =	stream.indirect.scatter.add.f32 @!p0 [tilespmem:s21], [sflag:$0x3], $0x80, s16, s22, $0xb8;
	v63 =	vld [tilespmem:$0x0]  }
0x32: {  	_ =	swait.ge @!p0 [sflag:s19], $0x2000  }
.LBB2_3:
0x33: {  	[sflag:s19] =	ssyncset.done @!p0 $0x0;
	s15 =	sadd.s32 $0x1, s15  }
0x34: {  	[sflag:s19] =	ssyncadd.s32 @!p0 $0xFFFFE000;
	p0 =	sne.s32 s15, s10  }
.Ltmp2:
0x35: {  	[bflag:$0x0] =	sbarrier.arrive $0xFFFF;
	(pc) =	sbr.rel @p0 .LBB2_1-.Ltmp2, $4  }
0x36: {  	[hbm:s9], [sflag:s13] =	dma.local [spmem:s14], $0x2800  }
0x37: {  	_ =	swait.ge [sflag:s11], $0x2800  }
0x38: {  	[sflag:s11] =	ssyncset.done $0x0  }
0x39: {  	[sflag:s11] =	ssyncadd.s32 $0xFFFFD800  }
0x3a: {  	_ =	sfence.sel $0x180000  }
0x3b: {  	[bflag:$0x0] =	sbarrier.arrive $0xFFFF  }
0x3c: {  	p0 =	sne.s32 s1, $0x0;
	_ =	strace $0x9000004D  }
0x3d: {  	s0 =	sadd.s32 @!p0 $0x100000, s0;
	[bflag:$0x2] =	sbarrier.arrive $0xFFFF  }
0x3e: {  	[sflag:s0] =	ssyncadd.tile.s32 @!p0 $0x1;
	_ =	shalt  }
.Lfunc_end2:
_tile_overlayer_lowered:
.L_overlay_start_2:
0x3f: {  	(tag) =	ssettag $0x2  }
0x40: {  	s0 =	rddreg [dreg:$0x0];
	s2 =	stileid.u32  }
0x41: {  	s1 =	rddreg [dreg:$0x1];
	p0 =	sne.s32 s2, $0x0  }
0x42: {  	s3 =	rddreg [dreg:$0x2];
	[bflag:$0x3] =	sbarrier.arrive $0xFFFF;
	s2 =	simm.s32 @!p0 $0x1C03  }
0x43: {  	[timem:s3], [sflag:s2] =	dma.local @!p0 [hbm:s0], s1  }
0x44: {  	s0 =	simm.s32 @!p0 $0x3  }
0x45: {  	_ =	swait.ge @!p0 [sflag:s0], s1  }
0x46: {  	s1 =	ssub.s32 @!p0 $0x0, s1;
	[sflag:s0] =	ssyncset.done @!p0 $0x0  }
0x47: {  	[sflag:s0] =	ssyncadd.s32 @!p0 s1  }
0x48: {  	[bflag:$0x3] =	sbarrier.arrive $0xFFFF  }
0x49: {  	_ =	shalt  }

// kernel: kernel.19.cloned.1.call-start
scs
__scs_entry_jumppad:
0x0: {  	(pc) =	sbr.rel $0x88, $3  }
0x1: {  	(tag) =	ssettag $0x0;
	lr =	simm.s32 $0x1  }
0x2: {  	[smem:$0x3F95] =	sst lr;
	_ =	strace $0xD0000000  }
0x3: {  	_ = 	snop  }
0x4: {  	_ = 	snop  }
0x5: {  	_ = 	snop  }
0x6: {  	_ = 	snop  }
0x7: {  	_ = 	snop  }
__scs_overlays_trampoline_lowered:
0x8: {  	[smem:$0x3FA4] =	sst s0  }
0x9: {  	[smem:$0x3FA5] =	sst s1  }
0xa: {  	[smem:$0x3FA6] =	sst s2  }
0xb: {  	[smem:$0x3FA7] =	sst s3  }
0xc: {  	[smem:$0x3FA8] =	sst s4  }
0xd: {  	[smem:$0x3FA9] =	sst s5  }
0xe: {  	[smem:$0x3FAA] =	sst s6  }
0xf: {  	[smem:$0x3FAB] =	sst s7  }
0x10: {  	[smem:$0x3FAC] =	sst s8  }
0x11: {  	[smem:$0x3FAD] =	sst s9;
	s0 =	simm.s32 @!p0 $0x0  }
0x12: {  	s1 =	sld [smem:$0x3F93];
	s0 =	simm.s32 @p0 $0x1  }
0x13: {  	[smem:$0x3FAE] =	sst s0;
	s0 =	simm.s32 @!p1 $0x0  }
0x14: {  	s2 =	sld [smem:$0x3F92];
	s0 =	simm.s32 @p1 $0x1  }
0x15: {  	[smem:$0x3FAF] =	sst s0;
	s0 =	simm.s32 @!p2 $0x0  }
0x16: {  	s3 =	sld [smem:$0x3FDB];
	s0 =	simm.s32 @p2 $0x1  }
0x17: {  	s4 =	simm.s32 $0x1BF5;
	[smem:$0x3FB1] =	sst s0  }
0x18: {  	s0 =	sld [smem:$0x3F94];
	_ =	swait.ge [sflag:s4], $0x0  }
0x19: {  	s7 =	sld [smem:$0x3F95]  }
0x1a: {  	s8 =	sadd.s32 $0xFFFFE003, lr  }
0x1b: {  	s9 =	sadd.s32 $0xFFFFFEF7, lr;
	s5 =	simm.s32 $0xFFFFFFFF;
	p2 =	slt.u32 s8, $0xFFFFF086  }
0x1c: {  	p1 =	slt.u32 s9, $0xF7A;
	s5 =	simm.s32 @!p2 $0x0  }
0x1d: {  	s5 =	simm.s32 @p1 $0x1;
	p0 =	seq.s32 s7, s2  }
0x1e: {  	s7 =	smul.u32 @!p0 $0xF7A, s2;
	p2 =	seq.s32 @!p0 s5, $0x0  }
0x1f: {  	s9 =	smul.u32 $0xF7A, s1;
	s8 =	simm.s32 @!p0 $0x1BF5;
	p2 =	por !p2, p0  }
0x20: {  	[sflag:s8] =	ssyncset.s32 @!p0 $0xFFFFF086;
	s6 =	sadd.s32 @!p0 s3, s7;
	s7 =	simm.s32 @!p0 $0x108  }
0x21: {  	s3 =	sadd.s32 s3, s9;
	s6 =	sadd.s32 @!p0 $0x88, s6;
	s7 =	simm.s32 @p2 $0x1082  }
0x22: {  	[simem:s7], [sflag:s8] =	dma.local @!p0 [hbm:s6], $0xF7A  }
0x23: {  	s9 =	sor.u32 $0xD0000000, s2;
	s6 =	simm.s32 $0x108;
	_ =	swait.ge @!p0 [sflag:s8], $0x0  }
0x24: {  	s3 =	sadd.s32 $0x88, s3;
	s6 =	simm.s32 @!p1 $0x1082;
	[sflag:s4] =	ssyncset.s32 $0xFFFFF086  }
0x25: {  	[simem:s6], [sflag:s4] =	dma.local [hbm:s3], $0xF7A  }
0x26: {  	[smem:$0x3F95] =	sst s1;
	(tag) =	ssettag s2;
	_ =	strace s9  }
0x27: {  	s1 =	sld [smem:$0x3FA5]  }
0x28: {  	s2 =	sld [smem:$0x3FA6]  }
0x29: {  	s4 =	sld [smem:$0x3FA8]  }
0x2a: {  	p0 =	seq.s32 s5, $0x0;
	s5 =	sld [smem:$0x3FA9]  }
0x2b: {  	s6 =	sld [smem:$0x3FAA]  }
0x2c: {  	s7 =	sld [smem:$0x3FAB]  }
0x2d: {  	s3 =	simm.s32 $0x108;
	s8 =	sld [smem:$0x3FAC]  }
0x2e: {  	s3 =	simm.s32 @!p0 $0x1082;
	s9 =	sld [smem:$0x3FAD]  }
0x2f: {  	lr =	sadd.s32 s0, s3;
	s0 =	sld [smem:$0x3FA4]  }
0x30: {  	s3 =	sld [smem:$0x3FA7]  }
0x31: {  	[smem:$0x3FB0] =	sst s10  }
0x32: {  	s10 =	sld [smem:$0x3FAE];
	_ =	sdelay $0x3  }
0x33: {  	p0 =	seq.s32 s10, $0x1;
	s10 =	sld [smem:$0x3FB0];
	_ =	sdelay $0x3  }
0x34: {  	[smem:$0x3FB0] =	sst s10  }
0x35: {  	s10 =	sld [smem:$0x3FAF];
	_ =	sdelay $0x3  }
0x36: {  	p1 =	seq.s32 s10, $0x1;
	s10 =	sld [smem:$0x3FB0];
	_ =	sdelay $0x3  }
0x37: {  	[smem:$0x3FB0] =	sst s10  }
0x38: {  	s10 =	sld [smem:$0x3FB1]  }
0x39: {  	_ = 	snop;
	(pc) =	sbr.ind lr, $3  }
0x3a: {  	_ = 	snop  }
0x3b: {  	_ = 	snop  }
0x3c: {  	p2 =	seq.s32 s10, $0x1;
	s10 =	sld [smem:$0x3FB0]  }
0x3d: {  	_ =	shalt  }
0x3e: {  	_ =	shalt  }
0x3f: {  	_ =	shalt  }
0x40: {  	_ =	shalt  }
0x41: {  	_ =	shalt  }
0x42: {  	_ =	shalt  }
0x43: {  	_ =	shalt  }
0x44: {  	_ =	shalt  }
0x45: {  	_ =	shalt  }
0x46: {  	_ =	shalt  }
0x47: {  	_ =	shalt  }
0x48: {  	_ =	shalt  }
0x49: {  	_ =	shalt  }
0x4a: {  	_ =	shalt  }
0x4b: {  	_ =	shalt  }
0x4c: {  	_ =	shalt  }
0x4d: {  	_ =	shalt  }
0x4e: {  	_ =	shalt  }
0x4f: {  	_ =	shalt  }
0x50: {  	_ =	shalt  }
0x51: {  	_ =	shalt  }
0x52: {  	_ =	shalt  }
0x53: {  	_ =	shalt  }
0x54: {  	_ =	shalt  }
0x55: {  	_ =	shalt  }
0x56: {  	_ =	shalt  }
0x57: {  	_ =	shalt  }
0x58: {  	_ =	shalt  }
0x59: {  	_ =	shalt  }
0x5a: {  	_ =	shalt  }
0x5b: {  	_ =	shalt  }
0x5c: {  	_ =	shalt  }
0x5d: {  	_ =	shalt  }
0x5e: {  	_ =	shalt  }
0x5f: {  	_ =	shalt  }
0x60: {  	_ =	shalt  }
0x61: {  	_ =	shalt  }
0x62: {  	_ =	shalt  }
0x63: {  	_ =	shalt  }
0x64: {  	_ =	shalt  }
0x65: {  	_ =	shalt  }
0x66: {  	_ =	shalt  }
0x67: {  	_ =	shalt  }
0x68: {  	_ =	shalt  }
0x69: {  	_ =	shalt  }
0x6a: {  	_ =	shalt  }
0x6b: {  	_ =	shalt  }
0x6c: {  	_ =	shalt  }
0x6d: {  	_ =	shalt  }
0x6e: {  	_ =	shalt  }
0x6f: {  	_ =	shalt  }
0x70: {  	_ =	shalt  }
0x71: {  	_ =	shalt  }
0x72: {  	_ =	shalt  }
0x73: {  	_ =	shalt  }
0x74: {  	_ =	shalt  }
0x75: {  	_ =	shalt  }
0x76: {  	_ =	shalt  }
0x77: {  	_ =	shalt  }
0x78: {  	_ =	shalt  }
0x79: {  	_ =	shalt  }
0x7a: {  	_ =	shalt  }
0x7b: {  	_ =	shalt  }
0x7c: {  	_ =	shalt  }
0x7d: {  	_ =	shalt  }
0x7e: {  	_ =	shalt  }
0x7f: {  	_ =	shalt  }
0x80: {  	_ =	shalt  }
0x81: {  	_ =	shalt  }
0x82: {  	_ =	shalt  }
0x83: {  	_ =	shalt  }
0x84: {  	_ =	shalt  }
0x85: {  	_ =	shalt  }
0x86: {  	_ =	shalt  }
0x87: {  	_ =	shalt  }
.Lfunc_end0:
.L_simem_size_0:
called_computation.3_lowered:
.L_overlay_start_0:
0x88: {  	s2 =	sld [smem:$0x3FD9]  }
0x89: {  	s3 =	sld [smem:$0x3FFE];
	_ =	sdelay $0x1  }
0x8a: {  	s1 =	srdreg.scid  }
0x8b: {  	s0 =	sand.u32 $0x1, s1  }
0x8c: {  	s17 =	sshll.u32 s0, $0xA;
	s2 =	sadd.s32 s3, s2  }
0x8d: {  	s2 =	sadd.s32 s2, s17  }
0x8e: {  	[smem:$0x3FBC] =	sst s2  }
0x8f: {  	_ = 	snop  }
0x90: {  	s2 =	sld [smem:$0x3FD0];
	(tm) =	ssettm $0x1  }
0x91: {  	s18 =	sld [smem:$0x3FFB];
	_ =	sdelay $0x3  }
0x92: {  	_ =	strace s18  }
0x93: {  	s3 =	sld [smem:$0x3FFC];
	_ =	sdelay $0x3  }
0x94: {  	_ =	strace s3  }
0x95: {  	s3 =	sld [smem:$0x3FFD];
	_ =	sdelay $0x3  }
0x96: {  	_ =	strace s3  }
0x97: {  	_ =	strace $0x8FFFFFFF  }
0x98: {  	s19 =	sld [smem:$0x3FDB];
	_ =	sdelay $0x1  }
0x99: {  	s4 =	simm.s32 $_scs_section_size  }
0x9a: {  	s5 =	simm.s32 $_size__tile_overlayer_lowered;
	s6 =	simm.s32 $_tile_overlayer_lowered  }
0x9b: {  	s22 =	simm.s32 $0x1BFF;
	s21 =	sshll.u32 s6, $0x1;
	s3 =	sadd.s32 s4, s19  }
0x9c: {  	s7 =	simm.s32 $0x0;
	s20 =	sshll.u32 s5, $0x1;
	s5 =	sadd.s32 s21, s3  }
0x9d: {  	[timem:s7], [sflag:s22] =	dma.local [hbm:s5], s20  }
0x9e: {  	_ =	swait.ge [sflag:s22], s20  }
0x9f: {  	s4 =	ssub.s32 $0x0, s20;
	[sflag:s22] =	ssyncset.done $0x0  }
0xa0: {  	[sflag:s22] =	ssyncadd.s32 s4;
	_ =	sdelay $0x1  }
0xa1: {  	s23 =	simm.s32 $0x1B8B  }
0xa2: {  	_ =	swait.ge [sflag:s23], $0x1  }
0xa3: {  	[sflag:s23] =	ssyncset.done $0x0  }
0xa4: {  	s25 =	simm.s32 $0x1B8E;
	s24 =	sld [smem:$0x3FFE];
	[sflag:s23] =	ssyncadd.s32 $0xFFFFFFFF  }
0xa5: {  	s26 =	simm.s32 $execute0_lowered;
	[smem:$0x3FD2] =	sst s25  }
0xa6: {  	s5 =	sshll.u32 s26, $0x1;
	_ =	strace $0x8000004F;
	[dreg:$0x1] =	wrdreg $0xFFFFFFFF  }
0xa7: {  	s28 =	simm.s32 $_size_execute0_lowered;
	s3 =	sadd.s32 s3, s5;
	[dreg:$0x0] =	wrdreg $0x0  }
0xa8: {  	s5 =	sshll.u32 s28, $0x1;
	[dreg:$0x2] =	wrdreg s3  }
0xa9: {  	[dreg:$0x3] =	wrdreg s5  }
0xaa: {  	[dreg:$0x4] =	wrdreg $0xC0  }
0xab: {  	_ =	task [dreg:s7], $0x5FFFF  }
0xac: {  	[dreg:$0x1] =	wrdreg $0xFFFFFFFF  }
0xad: {  	[dreg:$0x0] =	wrdreg $0x60  }
0xae: {  	[dreg:$0x2] =	wrdreg s2  }
0xaf: {  	[dreg:$0x3] =	wrdreg s24  }
0xb0: {  	[dreg:$0x4] =	wrdreg $0xC0000  }
0xb1: {  	[dreg:$0x5] =	wrdreg $0x9  }
0xb2: {  	_ =	task.clear_ibuf [dreg:s7], $0x6FFFF;
	_ =	strace $0x9000004F  }
0xb3: {  	s29 =	simm.s32 $0x9;
	_ =	strace $0x80000051  }
0xb4: {  	_ =	swait.ge [sflag:s29], $0x1  }
0xb5: {  	[sflag:s29] =	ssyncadd.s32 $0xFFFFFFFF  }
0xb6: {  	_ =	strace $0x90000051  }
0xb7: {  	_ =	sfence  }
0xb8: {  	s30 =	sld [smem:$0x0];
	_ =	sdelay $0x2  }
0xb9: {  	s31 =	sshll.u32 s1, $0xD;
	s1 =	sshrl.u32 s1, $0x2  }
0xba: {  	s3 =	sand.u32 $0x4000, s31;
	s1 =	sadd.s32 s1, s30  }
0xbb: {  	s0 =	sor.u32 s3, s0;
	s1 =	sshll.u32 s1, $0x11  }
0xbc: {  	s0 =	sor.u32 s1, s0  }
0xbd: {  	s0 =	sadd.s32 $0x8F2B, s0  }
0xbe: {  	[sflag:s0] =	ssyncadd.remote.s32 $0x1  }
0xbf: {  	_ =	sfence.sel $0xFFFF  }
0xc0: {  	[dreg:$0x0] =	wrdreg $0xFFFFFFFF;
	(pc) =	sbr.abs _section_cstart, $3  }
0xc1: {  	[dreg:$0x1] =	wrdreg $0xFFFFFFFF  }
0xc2: {  	_ =	task.clear_ibuf [dreg:s7], $0x2FFFF;
	_ =	strace $0x9FFFFFFF  }
0xc3: {  	(tm) =	ssettm $0x7FFFFFFF  }
tec
execute0_lowered:
.L_overlay_start_1:
0x0: {  	(tag) =	ssettag $0x1  }
0x1: {  	s6 =	rddreg [dreg:$0x0]  }
0x2: {  	s7 =	rddreg [dreg:$0x1]  }
0x3: {  	s2 =	rddreg [dreg:$0x2]  }
0x4: {  	s0 =	rddreg [dreg:$0x3];
	s4 =	srdreg.scid  }
0x5: {  	s3 =	simm.s32 $0x0;
	s1 =	stileid.u32;
	s5 =	sand.u32 $0x1, s4  }
0x6: {  	[smem:$0x7FF] =	sst s3;
	s28 =	sshll.u32 s1, $0x9;
	s8 =	sshll.u32 s1, $0xB  }
0x7: {  	s10 =	smul.u32 $0x14000, s1;
	s4 =	sadd.s32 $0xE800, s7;
	s31 =	sshll.u32 s1, $0x6  }
0x8: {  	p0 =	seq.s32 s5, $0x0;
	s9 =	sor.u32 $0x8000, s28;
	_ =	strace $0x80000050  }
0x9: {  	s29 =	smul.u32 $0x140000, s5;
	s13 =	ssub.s32 $0x2, s5;
	s5 =	simm.s32 $0x100  }
0xa: {  	s9 =	smov.u32 @p0 s8;
	s12 =	sshrl.u32 s10, $0x3;
	s14 =	sshrl.u32 s13, $0x1  }
0xb: {  	s5 =	simm.s32 @!p0 $0x40;
	s30 =	sadd.s32 s10, s2;
	s11 =	sadd.s32 s9, s7  }
0xc: {  	s12 =	sadd.s32 s12, s7;
	s8 =	sadd.s32 s10, s29;
	s13 =	ssub.s32 s13, s14  }
0xd: {  	s6 =	sadd.s32 s6, s9;
	s14 =	sshrl.u32 s30, $0x3;
	s8 =	sshrl.u32 s8, $0x3  }
0xe: {  	s10 =	smax.u32 s13, $0x1;
	s13 =	sor.u32 $0x1C03, s31;
	s15 =	sadd.s32 s8, s7  }
0xf: {  	s7 =	sadd.s32 $0x4000, s11;
	s8 =	sadd.s32 $0x36800, s12;
	s11 =	simm.s32 $0x3  }
0x10: {  	s12 =	simm.s32 $0x4000;
	s9 =	sadd.s32 $0x5E800, s15;
	s15 =	simm.s32 $0x0  }
.LBB2_1:
0x11: {  	[tilespmem:s3], [sflag:$0x3] =	stream.linear.gather [hbm4b:s6+s3], $0x4000, $0x38;
	v63 =	vld [tilespmem:$0x0]  }
0x12: {  	_ =	swait.ge [sflag:s11], $0x4000  }
0x13: {  	[sflag:s11] =	ssyncset.done $0x0  }
0x14: {  	[sflag:s11] =	ssyncadd.s32 $0xFFFFC000  }
0x15: {  	[tilespmem:s12], [sflag:$0x3] =	stream.linear.gather [hbm4b:s7+s3], $0x4000, $0x38;
	v63 =	vld [tilespmem:$0x0]  }
0x16: {  	_ =	swait.ge [sflag:s11], $0x4000  }
0x17: {  	[sflag:s11] =	ssyncset.done $0x0  }
0x18: {  	p1 =	sle.u32 s5, $0x0;
	[sflag:s11] =	ssyncadd.s32 $0xFFFFC000  }
0x19: {  	[spmem:s14], [sflag:s13] =	dma.local [hbm:s8], $0x2800  }
0x1a: {  	p0 =	sle.u32 s5, $0xFFFFFFFF;
	s16 =	sand.u32 @!p1 $0x1, s3;
	_ =	swait.ge [sflag:s11], $0x2800  }
0x1b: {  	s18 =	sxor.u32 @!p0 $0xFFFFFFFF, s3;
	s19 =	simm.s32 @!p1 $0x40;
	[sflag:s11] =	ssyncset.done $0x0  }
0x1c: {  	s17 =	sshll.u32 @!p1 s16, $0xD;
	s16 =	sadd.s32 @!p1 $0x1, s16;
	[sflag:s11] =	ssyncadd.s32 $0xFFFFD800  }
0x1d: {  	s18 =	sand.u32 @!p0 $0x1, s18;
	s17 =	sor.u32 @!p1 $0x8000, s17;
	[bflag:$0x0] =	sbarrier.arrive $0xFFFF  }
0x1e: {  	[tilespmem:s17], [sflag:s16] =	stream.indirect.gather @!p1 [hbm4b:s4+s19], $0x80, s3, s19, $0xb8;
	v63 =	vld [tilespmem:$0x0]  }
0x1f: {  	s17 =	sadd.s32 @!p0 $0x1, s18  }
0x20: {  	s16 =	simm.s32 $0x3FC0;
	p1 =	por $0x1, $0x1;
	_ =	swait.ge @!p0 [sflag:s17], $0x2000  }
.Ltmp0:
0x21: {  	s18 =	sshll.u32 @!p0 s18, $0xD;
	[sflag:s17] =	ssyncset.done @!p0 $0x0;
	(pc) =	sbr.rel @!p1 .LBB2_3-.Ltmp0, $4  }
0x22: {  	s19 =	simm.s32 @!p0 $0x40;
	s18 =	sor.u32 @!p0 $0x8000, s18;
	[sflag:s17] =	ssyncadd.s32 @!p0 $0xFFFFE000  }
0x23: {  	[spmem:s2] =	stream.indirect.scatter.add.f32 @!p0 [tilespmem:s18], [sflag:$0x3], $0x80, s16, s19, $0xb8;
	v63 =	vld [tilespmem:$0x0]  }
0x24: {  	s19 =	simm.s32 @!p0 $0x3  }
0x25: {  	s17 =	simm.s32 $0x0;
	s18 =	simm.s32 $0x1;
	_ =	swait.ge @!p0 [sflag:s19], $0x2000  }
.LBB2_2:
0x26: {  	[sflag:s19] =	ssyncset.done @!p0 $0x0  }
0x27: {  	s17 =	sadd.s32 $0x40, s17;
	s16 =	sadd.s32 $0x40, s16;
	s20 =	smov.u32 s18  }
0x28: {  	p1 =	sge.u32 s18, s5;
	s18 =	sadd.s32 $0xFFFFFFFF, s18;
	[sflag:s19] =	ssyncadd.s32 @!p0 $0xFFFFE000  }
0x29: {  	s19 =	sand.u32 @!p1 $0x1, s20;
	p0 =	sge.u32 s18, s5;
	s18 =	sadd.s32 $0x2, s18  }
0x2a: {  	s21 =	sshll.u32 @!p1 s19, $0xD;
	s19 =	sadd.s32 @!p1 $0x1, s19;
	s20 =	sxor.u32 @!p0 $0xFFFFFFFF, s20  }
0x2b: {  	s22 =	simm.s32 @!p1 $0x40;
	s21 =	sor.u32 @!p1 $0x8000, s21;
	s20 =	sand.u32 @!p0 $0x1, s20  }
0x2c: {  	[tilespmem:s21], [sflag:s19] =	stream.indirect.gather @!p1 [hbm4b:s4+s22], $0x80, s17, s22, $0xb8;
	v63 =	vld [tilespmem:$0x0]  }
0x2d: {  	s19 =	sshll.u32 @!p0 s20, $0xD;
	s20 =	sadd.s32 @!p0 $0x1, s20;
	p1 =	sne.s32 s18, $0x101  }
.Ltmp1:
0x2e: {  	s21 =	sor.u32 @!p0 $0x8000, s19;
	_ =	swait.ge @!p0 [sflag:s20], $0x2000;
	(pc) =	sbr.rel @p1 .LBB2_2-.Ltmp1, $4  }
0x2f: {  	s22 =	simm.s32 @!p0 $0x40;
	[sflag:s20] =	ssyncset.done @!p0 $0x0  }
0x30: {  	s19 =	simm.s32 @!p0 $0x3;
	[sflag:s20] =	ssyncadd.s32 @!p0 $0xFFFFE000  }
0x31: {  	[spmem:s2] =	stream.indirect.scatter.add.f32 @!p0 [tilespmem:s21], [sflag:$0x3], $0x80, s16, s22, $0xb8;
	v63 =	vld [tilespmem:$0x0]  }
0x32: {  	_ =	swait.ge @!p0 [sflag:s19], $0x2000  }
.LBB2_3:
0x33: {  	[sflag:s19] =	ssyncset.done @!p0 $0x0;
	s15 =	sadd.s32 $0x1, s15  }
0x34: {  	[sflag:s19] =	ssyncadd.s32 @!p0 $0xFFFFE000;
	p0 =	sne.s32 s15, s10  }
.Ltmp2:
0x35: {  	[bflag:$0x0] =	sbarrier.arrive $0xFFFF;
	(pc) =	sbr.rel @p0 .LBB2_1-.Ltmp2, $4  }
0x36: {  	[hbm:s9], [sflag:s13] =	dma.local [spmem:s14], $0x2800  }
0x37: {  	_ =	swait.ge [sflag:s11], $0x2800  }
0x38: {  	[sflag:s11] =	ssyncset.done $0x0  }
0x39: {  	[sflag:s11] =	ssyncadd.s32 $0xFFFFD800  }
0x3a: {  	_ =	sfence.sel $0x180000  }
0x3b: {  	[bflag:$0x0] =	sbarrier.arrive $0xFFFF  }
0x3c: {  	p0 =	sne.s32 s1, $0x0;
	_ =	strace $0x90000050  }
0x3d: {  	s0 =	sadd.s32 @!p0 $0x100000, s0;
	[bflag:$0x2] =	sbarrier.arrive $0xFFFF  }
0x3e: {  	[sflag:s0] =	ssyncadd.tile.s32 @!p0 $0x1;
	_ =	shalt  }
.Lfunc_end2:
_tile_overlayer_lowered:
.L_overlay_start_2:
0x3f: {  	(tag) =	ssettag $0x2  }
0x40: {  	s0 =	rddreg [dreg:$0x0];
	s2 =	stileid.u32  }
0x41: {  	s1 =	rddreg [dreg:$0x1];
	p0 =	sne.s32 s2, $0x0  }
0x42: {  	s3 =	rddreg [dreg:$0x2];
	[bflag:$0x3] =	sbarrier.arrive $0xFFFF;
	s2 =	simm.s32 @!p0 $0x1C03  }
0x43: {  	[timem:s3], [sflag:s2] =	dma.local @!p0 [hbm:s0], s1  }
0x44: {  	s0 =	simm.s32 @!p0 $0x3  }
0x45: {  	_ =	swait.ge @!p0 [sflag:s0], s1  }
0x46: {  	s1 =	ssub.s32 @!p0 $0x0, s1;
	[sflag:s0] =	ssyncset.done @!p0 $0x0  }
0x47: {  	[sflag:s0] =	ssyncadd.s32 @!p0 s1  }
0x48: {  	[bflag:$0x3] =	sbarrier.arrive $0xFFFF  }
0x49: {  	_ =	shalt  }

</sc_bundles>
